<compile_context>
chip_gen: v7x
topology: tpu7x:2x2x1
jax: 0.10.2.dev20260603
libtpu: 0.0.44.dev20260713+nightly
codegen_flags: <defaults>
</compile_context>

<pallas_src>
import functools

import jax
import jax.numpy as jnp
from jax import lax
from jax.experimental import pallas as pl
from jax.experimental.pallas import tpu as pltpu
from jax.experimental.pallas import tpu_sc as plsc

N = 10000
DIM = 512
NUM_SEG = 512
LAYERS = 6
LANES = 16

NC = 2
NS = 16
NW = NC * NS

CHUNK = 160
SG = 8
CG = 4
CW = DIM // CG
SEGT = NUM_SEG // SG
BND_PAD = SG * SEGT + SEGT + LANES

_mesh = plsc.VectorSubcoreMesh(core_axis_name="c", subcore_axis_name="s")


@functools.partial(
    pl.kernel,
    out_type=jax.ShapeDtypeStruct((NUM_SEG, DIM), jnp.float32),
    mesh=_mesh,
    scratch_types=[
        pltpu.VMEM((CHUNK, CW), jnp.float32),
        pltpu.VMEM((CHUNK, CW), jnp.float32),
        pltpu.VMEM((SEGT + LANES,), jnp.int32),
        pltpu.VMEM((CHUNK + LANES,), jnp.int32),
        pltpu.VMEM((CHUNK + LANES,), jnp.int32),
        pltpu.VMEM((SEGT, CW), jnp.float32),
        pltpu.SemaphoreType.DMA,
        pltpu.SemaphoreType.DMA,
        pltpu.SemaphoreType.DMA,
        pltpu.SemaphoreType.DMA,
        pltpu.SemaphoreType.DMA,
    ],
)
def _sc_scatter(x_hbm, bnd_hbm, zeros_hbm, idxf_hbm, out_hbm,
                rows_v0, rows_v1, bnd_v, idx_v0, idx_v1, acc_v,
                s_r0, s_r1, s_i0, s_i1, s_z):
    cid = lax.axis_index("c")
    sid = lax.axis_index("s")
    wid = sid * NC + cid
    sg = wid // CG
    cg = wid % CG
    c0 = cg * CW

    zc = pltpu.async_copy(zeros_hbm.at[pl.ds(0, SEGT), pl.ds(c0, CW)],
                          acc_v, s_z)
    pltpu.sync_copy(bnd_hbm.at[pl.ds(sg * SEGT, SEGT + LANES)], bnd_v)
    zc.wait()

    def bget(i):
        return bnd_v[pl.ds(i, LANES)][0]

    rlo = bget(0)
    rhi = bget(SEGT)
    start = (rlo // 8) * 8

    zacc = tuple(jnp.zeros((LANES,), jnp.float32) for _ in range(CW // LANES))

    rows_b = (rows_v0, rows_v1)
    idx_b = (idx_v0, idx_v1)
    s_r = (s_r0, s_r1)
    s_i = (s_i0, s_i1)

    def base_of(cstart):
        return (jnp.minimum(cstart, N - CHUNK) // 8) * 8

    def start_chunk(cstart, bi):
        bk = base_of(cstart)
        pltpu.async_copy(x_hbm.at[pl.ds(bk, CHUNK), pl.ds(c0, CW)],
                         rows_b[bi], s_r[bi])
        pltpu.async_copy(idxf_hbm.at[pl.ds(bk, CHUNK)],
                         idx_b[bi].at[pl.ds(0, CHUNK)], s_i[bi])

    def wait_chunk(cstart, bi):
        bk = base_of(cstart)
        pltpu.make_async_copy(x_hbm.at[pl.ds(bk, CHUNK), pl.ds(c0, CW)],
                              rows_b[bi], s_r[bi]).wait()
        pltpu.make_async_copy(idxf_hbm.at[pl.ds(bk, CHUNK)],
                              idx_b[bi].at[pl.ds(0, CHUNK)], s_i[bi]).wait()

    def add_range(accs, lo, hi, bk, bi):
        def body(r, a):
            return tuple(
                a[j] + rows_b[bi][r - bk, pl.ds(j * LANES, LANES)]
                for j in range(CW // LANES)
            )
        return lax.fori_loop(lo, hi, body, accs)

    def flush_add(s_local, accs):
        for j in range(CW // LANES):
            sl = pl.ds(j * LANES, LANES)
            acc_v[s_local, sl] = acc_v[s_local, sl] + accs[j]

    def proc_chunk(cstart, s, bi):
        bk = base_of(cstart)
        win_hi = jnp.minimum(cstart + CHUNK, rhi)

        s_hi = idx_b[bi][pl.ds(win_hi - 1 - bk, LANES)][0] - sg * SEGT

        def seg_body(s2, carry):
            accs = add_range(zacc, jnp.maximum(bget(s2), cstart),
                             bget(s2 + 1), bk, bi)
            flush_add(s2, accs)
            return carry

        lax.fori_loop(s, s_hi, seg_body, 0)
        accs3 = add_range(zacc, jnp.maximum(bget(s_hi), cstart), win_hi,
                          bk, bi)
        flush_add(jnp.clip(s_hi, 0, SEGT - 1), accs3)
        return s_hi

    @pl.when(start < rhi)
    def _prologue():
        start_chunk(start, 0)

    def pair_step(p, s):
        cs0 = start + (2 * p) * CHUNK
        cs1 = cs0 + CHUNK
        cs2 = cs1 + CHUNK

        def do_pair(s):
            @pl.when(cs1 < rhi)
            def _pf1():
                start_chunk(cs1, 1)

            wait_chunk(cs0, 0)
            s = proc_chunk(cs0, s, 0)

            def do_second(s):
                @pl.when(cs2 < rhi)
                def _pf2():
                    start_chunk(cs2, 0)

                wait_chunk(cs1, 1)
                return proc_chunk(cs1, s, 1)

            return lax.cond(cs1 < rhi, do_second, lambda t: t, s)

        return lax.cond(cs0 < rhi, do_pair, lambda t: t, s)

    NPAIRS = (N + CHUNK - 1) // CHUNK // 2 + 1
    lax.fori_loop(0, NPAIRS, pair_step, jnp.int32(0))

    pltpu.sync_copy(acc_v, out_hbm.at[pl.ds(sg * SEGT, SEGT), pl.ds(c0, CW)])


def _mlp_body(y2_ref, wt_ref, b_ref, out_ref):
    y = y2_ref[...]
    for i in range(LAYERS):
        yw = lax.dot_general(
            y, wt_ref[i], (((1,), (0,)), ((), ())),
            preferred_element_type=jnp.float32,
            precision=lax.Precision.HIGHEST,
        )
        y = jnp.maximum(yw + b_ref[i], 0.0)
    out_ref[...] = y


_tc_mlp = pl.pallas_call(
    _mlp_body,
    out_shape=jax.ShapeDtypeStruct((NUM_SEG, DIM), jnp.float32),
)

BLK = 400


def _bcast_body(x_ref, idx_ref, y_ref, o_ref):
    idxv = idx_ref[0, 0, :]
    onehot = (idxv[:, None]
              == lax.broadcasted_iota(jnp.int32, (BLK, NUM_SEG), 1)
              ).astype(jnp.float32)
    o_ref[...] = x_ref[...] + jnp.dot(onehot, y_ref[...],
                                      preferred_element_type=jnp.float32)


_tc_bcast = pl.pallas_call(
    _bcast_body,
    grid=(N // BLK,),
    in_specs=[
        pl.BlockSpec((BLK, DIM), lambda i: (i, 0)),
        pl.BlockSpec((1, 1, BLK), lambda i: (i, 0, 0)),
        pl.BlockSpec((NUM_SEG, DIM), lambda i: (0, 0)),
    ],
    out_specs=pl.BlockSpec((BLK, DIM), lambda i: (i, 0)),
    out_shape=jax.ShapeDtypeStruct((N, DIM), jnp.float32),
)


def kernel(x, edge_features, edge_idx, batch_idx, W, b):
    del edge_features, edge_idx
    Wt = jnp.swapaxes(W, 1, 2)
    b3 = b[:, None, :]
    bnd = jnp.searchsorted(batch_idx, jnp.arange(NUM_SEG + 1, dtype=jnp.int32))
    bnd_pad = jnp.full((BND_PAD,), N, dtype=jnp.int32).at[:NUM_SEG + 1].set(
        bnd.astype(jnp.int32))
    zeros = jnp.zeros((SEGT, DIM), jnp.float32)
    ysum = _sc_scatter(x, bnd_pad, zeros, batch_idx)
    y = _tc_mlp(ysum, Wt, b3)
    return _tc_bcast(x, batch_idx.reshape(N // BLK, 1, BLK), y)

# --- scband reference (transcript-rebuilt; emitter-appended) ---
"""Pipeline reference for scband-virtual-node-49529562857575 (READ-ONLY COPY).

The authoritative reference and input builder live on the scoring server;
editing this copy changes nothing except your own understanding.
"""

import jax, jax.numpy as jnp
import numpy as np

N = 10000
DIM = 512
E = 160000
D_EDGE = 16
NUM_SEG = 512
LAYERS = 6


def setup_inputs(seed: int = 0) -> dict:
    key = jax.random.key(seed)
    ks = jax.random.split(key, 6)
    x = jax.random.normal(ks[0], (N, DIM), dtype=jnp.float32)
    edge_features = jax.random.normal(ks[1], (E, D_EDGE), dtype=jnp.float32)
    edge_idx = jax.random.randint(ks[2], (2, E), 0, N, dtype=jnp.int32)
    batch_idx = jnp.sort(jax.random.randint(ks[3], (N,), 0, NUM_SEG, dtype=jnp.int32))
    # Linear layer params: torch Linear(dim, dim, bias=True) per virtual layer
    W = jax.random.normal(ks[4], (LAYERS, DIM, DIM), dtype=jnp.float32) * (1.0 / np.sqrt(DIM))
    b = jax.random.normal(ks[5], (LAYERS, DIM), dtype=jnp.float32) * 0.01
    return {"x": x, "edge_features": edge_features, "edge_idx": edge_idx, "batch_idx": batch_idx, "W": W, "b": b}


def reference(x, edge_features, edge_idx, batch_idx, W, b):
    # y = scatter_sum(x, batch_idx, dim=0)
    y = jax.ops.segment_sum(x, batch_idx, num_segments=NUM_SEG)
    for i in range(LAYERS):
        y = jnp.dot(y, W[i].T) + b[i]
        y = jax.nn.relu(y)
    # broadcast back to nodes: x + y[batch_idx]
    return x + jnp.take(y, batch_idx, axis=0)

if __name__ == "__main__":
    import jax
    _d = setup_inputs()
    print(jax.jit(kernel)(*tuple(_d.values())))

</pallas_src>

<mosaic_0001>
#map = affine_map<(d0, d1) -> (0, 0)>
#map1 = affine_map<(d0, d1) -> (0)>
module attributes {stable_mosaic.version = 14 : i64} {
  func.func @_sc_scatter(%arg0: i32, %arg1: i32, %arg2: memref<10000x512xf32, #tpu.memory_space<hbm>>, %arg3: memref<592xi32, #tpu.memory_space<hbm>>, %arg4: memref<64x512xf32, #tpu.memory_space<hbm>>, %arg5: memref<10000xi32, #tpu.memory_space<hbm>>, %arg6: memref<512x512xf32, #tpu.memory_space<hbm>>, %arg7: memref<160x128xf32, #tpu.memory_space<vmem>>, %arg8: memref<160x128xf32, #tpu.memory_space<vmem>>, %arg9: memref<80xi32, #tpu.memory_space<vmem>>, %arg10: memref<176xi32, #tpu.memory_space<vmem>>, %arg11: memref<176xi32, #tpu.memory_space<vmem>>, %arg12: memref<64x128xf32, #tpu.memory_space<vmem>>, %arg13: memref<!tpu.dma_semaphore, #tpu.memory_space<semaphore_mem>>, %arg14: memref<!tpu.dma_semaphore, #tpu.memory_space<semaphore_mem>>, %arg15: memref<!tpu.dma_semaphore, #tpu.memory_space<semaphore_mem>>, %arg16: memref<!tpu.dma_semaphore, #tpu.memory_space<semaphore_mem>>, %arg17: memref<!tpu.dma_semaphore, #tpu.memory_space<semaphore_mem>>) attributes {dimension_semantics = [#tpu.dimension_semantics<core_parallel>, #tpu.dimension_semantics<subcore_parallel>], iteration_bounds = array<i64: 2, 16>, scalar_prefetch = 0 : i64, scratch_operands = 11 : i64, tpu.core_type = #tpu.core_type<sc_vector_subcore>, window_params = [{transform_indices = #map}, {transform_indices = #map1}, {transform_indices = #map}, {transform_indices = #map1}, {transform_indices = #map}]} {
    %mul3A = arith.constant 2 : i32
    %mul3A_0 = arith.muli %arg1, %mul3A : i32
    %add3A = arith.addi %mul3A_0, %arg0 : i32
    %jit3A = arith.constant 4 : i32
    %div3A = arith.divsi %add3A, %jit3A : i32
    %sign3A = arith.constant 0 : i32
    %sign3A_1 = arith.cmpi sgt, %add3A, %sign3A : i32
    %sign3A_2 = arith.extui %sign3A_1 : i1 to i32
    %sign3A_3 = arith.constant 0 : i32
    %sign3A_4 = arith.cmpi slt, %add3A, %sign3A_3 : i32
    %sign3A_5 = arith.extui %sign3A_4 : i1 to i32
    %sign3A_6 = arith.subi %sign3A_2, %sign3A_5 : i32
    %sign3A_7 = arith.constant 0 : i32
    %sign3A_8 = arith.cmpi sgt, %jit3A, %sign3A_7 : i32
    %sign3A_9 = arith.extui %sign3A_8 : i1 to i32
    %sign3A_10 = arith.constant 0 : i32
    %sign3A_11 = arith.cmpi slt, %jit3A, %sign3A_10 : i32
    %sign3A_12 = arith.extui %sign3A_11 : i1 to i32
    %sign3A_13 = arith.subi %sign3A_9, %sign3A_12 : i32
    %ne3A = arith.cmpi ne, %sign3A_6, %sign3A_13 : i32
    %rem3A = arith.remsi %add3A, %jit3A : i32
    %ne3A_14 = arith.constant 0 : i32
    %ne3A_15 = arith.cmpi ne, %rem3A, %ne3A_14 : i32
    %and3A = arith.andi %ne3A, %ne3A_15 : i1
    %sub3A = arith.constant 1 : i32
    %sub3A_16 = arith.subi %div3A, %sub3A : i32
    %select_n3A = arith.select %and3A, %sub3A_16, %div3A : i32
    %jit3A_17 = arith.constant 4 : i32
    %eq3A = arith.constant 0 : i32
    %eq3A_18 = arith.cmpi eq, %jit3A_17, %eq3A : i32
    %jit3A_19 = arith.constant 1 : i32
    %select_n3A_20 = arith.select %eq3A_18, %jit3A_19, %jit3A_17 : i32
    %rem3A_21 = arith.remsi %add3A, %select_n3A_20 : i32
    %ne3A_22 = arith.constant 0 : i32
    %ne3A_23 = arith.cmpi ne, %rem3A_21, %ne3A_22 : i32
    %lt3A = arith.constant 0 : i32
    %lt3A_24 = arith.cmpi slt, %rem3A_21, %lt3A : i32
    %lt3A_25 = arith.constant 0 : i32
    %lt3A_26 = arith.cmpi slt, %select_n3A_20, %lt3A_25 : i32
    %ne3A_27 = arith.xori %lt3A_24, %lt3A_26 : i1
    %and3A_28 = arith.andi %ne3A_27, %ne3A_23 : i1
    %add3A_29 = arith.addi %rem3A_21, %select_n3A_20 : i32
    %select_n3A_30 = arith.select %and3A_28, %add3A_29, %rem3A_21 : i32
    %mul3A_31 = arith.constant 128 : i32
    %mul3A_32 = arith.muli %select_n3A_30, %mul3A_31 : i32
    %dma_start3A = arith.constant 0 : i32
    %dma_start3A_33 = tpu.memref_slice %arg4[%dma_start3A, %mul3A_32] : memref<64x512xf32, #tpu.memory_space<hbm>> -> memref<64x128xf32, #tpu.memory_space<hbm>>
    %dma_start3A_34 = arith.constant 0 : i32
    %dma_start3A_35 = tpu.memref_slice %arg4[%dma_start3A_34, %mul3A_32] : memref<64x512xf32, #tpu.memory_space<hbm>> -> memref<64x128xf32, #tpu.memory_space<hbm>>
    tpu.enqueue_dma source(%dma_start3A_35 : memref<64x128xf32, #tpu.memory_space<hbm>>) target(%arg12 : memref<64x128xf32, #tpu.memory_space<vmem>>) target_semaphore(%arg17 : memref<!tpu.dma_semaphore, #tpu.memory_space<semaphore_mem>>)
    %mul3A_36 = arith.constant 64 : i32
    %mul3A_37 = arith.muli %select_n3A, %mul3A_36 : i32
    "tpu.region"() ({
      %run_scoped3A = tpu.sem_alloc : memref<!tpu.dma_semaphore, #tpu.memory_space<semaphore_mem>>
      %dma_start3A_99 = tpu.memref_slice %arg3[%mul3A_37] : memref<592xi32, #tpu.memory_space<hbm>> -> memref<80xi32, #tpu.memory_space<hbm>>
      %dma_start3A_100 = tpu.memref_slice %arg3[%mul3A_37] : memref<592xi32, #tpu.memory_space<hbm>> -> memref<80xi32, #tpu.memory_space<hbm>>
      tpu.enqueue_dma source(%dma_start3A_100 : memref<80xi32, #tpu.memory_space<hbm>>) target(%arg9 : memref<80xi32, #tpu.memory_space<vmem>>) target_semaphore(%run_scoped3A : memref<!tpu.dma_semaphore, #tpu.memory_space<semaphore_mem>>)
      %dma_wait3A_101 = tpu.memref_slice %arg3[%mul3A_37] : memref<592xi32, #tpu.memory_space<hbm>> -> memref<80xi32, #tpu.memory_space<hbm>>
      %dma_wait3A_102 = tpu.memref_slice %arg3[%mul3A_37] : memref<592xi32, #tpu.memory_space<hbm>> -> memref<80xi32, #tpu.memory_space<hbm>>
      tpu.wait_dma2 semaphore(%run_scoped3A : memref<!tpu.dma_semaphore, #tpu.memory_space<semaphore_mem>>) src(%dma_wait3A_102 : memref<80xi32, #tpu.memory_space<hbm>>) dst(%arg9 : memref<80xi32, #tpu.memory_space<vmem>>)
      tpu.yield
    }) : () -> ()
    %dma_wait3A = arith.constant 0 : i32
    %dma_wait3A_38 = tpu.memref_slice %arg4[%dma_wait3A, %mul3A_32] : memref<64x512xf32, #tpu.memory_space<hbm>> -> memref<64x128xf32, #tpu.memory_space<hbm>>
    %dma_wait3A_39 = arith.constant 0 : i32
    %dma_wait3A_40 = tpu.memref_slice %arg4[%dma_wait3A_39, %mul3A_32] : memref<64x512xf32, #tpu.memory_space<hbm>> -> memref<64x128xf32, #tpu.memory_space<hbm>>
    tpu.wait_dma2 semaphore(%arg17 : memref<!tpu.dma_semaphore, #tpu.memory_space<semaphore_mem>>) src(%dma_wait3A_40 : memref<64x128xf32, #tpu.memory_space<hbm>>) dst(%arg12 : memref<64x128xf32, #tpu.memory_space<vmem>>)
    %get3A = arith.constant 0 : index
    %get3A_41 = tpu.vector_load %arg9[%get3A] {strides = array<i32>} : memref<80xi32, #tpu.memory_space<vmem>>, vector<16xi32>,
    %get3A_42 = vector.shape_cast %get3A_41 : vector<16xi32> to vector<16xi32>
    %slice3A = vector.extract_strided_slice %get3A_42 {offsets = [0], sizes = [1], strides = [1]} : vector<16xi32> to vector<1xi32>
    %squeeze3A = vector.extract %slice3A[0] : i32 from vector<1xi32>
    %get3A_43 = arith.constant 64 : index
    %get3A_44 = tpu.vector_load %arg9[%get3A_43] {strides = array<i32>} : memref<80xi32, #tpu.memory_space<vmem>>, vector<16xi32>,
    %get3A_45 = vector.shape_cast %get3A_44 : vector<16xi32> to vector<16xi32>
    %slice3A_46 = vector.extract_strided_slice %get3A_45 {offsets = [0], sizes = [1], strides = [1]} : vector<16xi32> to vector<1xi32>
    %squeeze3A_47 = vector.extract %slice3A_46[0] : i32 from vector<1xi32>
    %jit3A_48 = arith.constant 8 : i32
    %div3A_49 = arith.divsi %squeeze3A, %jit3A_48 : i32
    %sign3A_50 = arith.constant 0 : i32
    %sign3A_51 = arith.cmpi sgt, %squeeze3A, %sign3A_50 : i32
    %sign3A_52 = arith.extui %sign3A_51 : i1 to i32
    %sign3A_53 = arith.constant 0 : i32
    %sign3A_54 = arith.cmpi slt, %squeeze3A, %sign3A_53 : i32
    %sign3A_55 = arith.extui %sign3A_54 : i1 to i32
    %sign3A_56 = arith.subi %sign3A_52, %sign3A_55 : i32
    %sign3A_57 = arith.constant 0 : i32
    %sign3A_58 = arith.cmpi sgt, %jit3A_48, %sign3A_57 : i32
    %sign3A_59 = arith.extui %sign3A_58 : i1 to i32
    %sign3A_60 = arith.constant 0 : i32
    %sign3A_61 = arith.cmpi slt, %jit3A_48, %sign3A_60 : i32
    %sign3A_62 = arith.extui %sign3A_61 : i1 to i32
    %sign3A_63 = arith.subi %sign3A_59, %sign3A_62 : i32
    %ne3A_64 = arith.cmpi ne, %sign3A_56, %sign3A_63 : i32
    %rem3A_65 = arith.remsi %squeeze3A, %jit3A_48 : i32
    %ne3A_66 = arith.constant 0 : i32
    %ne3A_67 = arith.cmpi ne, %rem3A_65, %ne3A_66 : i32
    %and3A_68 = arith.andi %ne3A_64, %ne3A_67 : i1
    %sub3A_69 = arith.constant 1 : i32
    %sub3A_70 = arith.subi %div3A_49, %sub3A_69 : i32
    %select_n3A_71 = arith.select %and3A_68, %sub3A_70, %div3A_49 : i32
    %mul3A_72 = arith.constant 8 : i32
    %mul3A_73 = arith.muli %select_n3A_71, %mul3A_72 : i32
    %broadcast_in_dim3A = arith.constant 0.000000e+00 : f32
    %broadcast_in_dim3A_74 = vector.broadcast %broadcast_in_dim3A : f32 to vector<16xf32>
    %broadcast_in_dim3A_75 = arith.constant 0.000000e+00 : f32
    %broadcast_in_dim3A_76 = vector.broadcast %broadcast_in_dim3A_75 : f32 to vector<16xf32>
    %broadcast_in_dim3A_77 = arith.constant 0.000000e+00 : f32
    %broadcast_in_dim3A_78 = vector.broadcast %broadcast_in_dim3A_77 : f32 to vector<16xf32>
    %broadcast_in_dim3A_79 = arith.constant 0.000000e+00 : f32
    %broadcast_in_dim3A_80 = vector.broadcast %broadcast_in_dim3A_79 : f32 to vector<16xf32>
    %broadcast_in_dim3A_81 = arith.constant 0.000000e+00 : f32
    %broadcast_in_dim3A_82 = vector.broadcast %broadcast_in_dim3A_81 : f32 to vector<16xf32>
    %broadcast_in_dim3A_83 = arith.constant 0.000000e+00 : f32
    %broadcast_in_dim3A_84 = vector.broadcast %broadcast_in_dim3A_83 : f32 to vector<16xf32>
    %broadcast_in_dim3A_85 = arith.constant 0.000000e+00 : f32
    %broadcast_in_dim3A_86 = vector.broadcast %broadcast_in_dim3A_85 : f32 to vector<16xf32>
    %broadcast_in_dim3A_87 = arith.constant 0.000000e+00 : f32
    %broadcast_in_dim3A_88 = vector.broadcast %broadcast_in_dim3A_87 : f32 to vector<16xf32>
    %lt3A_89 = arith.cmpi slt, %mul3A_73, %squeeze3A_47 : i32
    %convert_element_type3A = arith.extui %lt3A_89 : i1 to i32
    %cond3A = arith.constant 0 : i32
    %cond3A_90 = arith.cmpi ne, %convert_element_type3A, %cond3A : i32
    scf.if %cond3A_90 {
      %min3A = arith.constant 9840 : i32
      %min3A_99 = arith.minsi %mul3A_73, %min3A : i32
      %jit3A_100 = arith.constant 8 : i32
      %div3A_101 = arith.divsi %min3A_99, %jit3A_100 : i32
      %sign3A_102 = arith.constant 0 : i32
      %sign3A_103 = arith.cmpi sgt, %min3A_99, %sign3A_102 : i32
      %sign3A_104 = arith.extui %sign3A_103 : i1 to i32
      %sign3A_105 = arith.constant 0 : i32
      %sign3A_106 = arith.cmpi slt, %min3A_99, %sign3A_105 : i32
      %sign3A_107 = arith.extui %sign3A_106 : i1 to i32
      %sign3A_108 = arith.subi %sign3A_104, %sign3A_107 : i32
      %sign3A_109 = arith.constant 0 : i32
      %sign3A_110 = arith.cmpi sgt, %jit3A_100, %sign3A_109 : i32
      %sign3A_111 = arith.extui %sign3A_110 : i1 to i32
      %sign3A_112 = arith.constant 0 : i32
      %sign3A_113 = arith.cmpi slt, %jit3A_100, %sign3A_112 : i32
      %sign3A_114 = arith.extui %sign3A_113 : i1 to i32
      %sign3A_115 = arith.subi %sign3A_111, %sign3A_114 : i32
      %ne3A_116 = arith.cmpi ne, %sign3A_108, %sign3A_115 : i32
      %rem3A_117 = arith.remsi %min3A_99, %jit3A_100 : i32
      %ne3A_118 = arith.constant 0 : i32
      %ne3A_119 = arith.cmpi ne, %rem3A_117, %ne3A_118 : i32
      %and3A_120 = arith.andi %ne3A_116, %ne3A_119 : i1
      %sub3A_121 = arith.constant 1 : i32
      %sub3A_122 = arith.subi %div3A_101, %sub3A_121 : i32
      %select_n3A_123 = arith.select %and3A_120, %sub3A_122, %div3A_101 : i32
      %mul3A_124 = arith.constant 8 : i32
      %mul3A_125 = arith.muli %select_n3A_123, %mul3A_124 : i32
      %dma_start3A_126 = tpu.memref_slice %arg2[%mul3A_125, %mul3A_32] : memref<10000x512xf32, #tpu.memory_space<hbm>> -> memref<160x128xf32, #tpu.memory_space<hbm>>
      %dma_start3A_127 = tpu.memref_slice %arg2[%mul3A_125, %mul3A_32] : memref<10000x512xf32, #tpu.memory_space<hbm>> -> memref<160x128xf32, #tpu.memory_space<hbm>>
      tpu.enqueue_dma source(%dma_start3A_127 : memref<160x128xf32, #tpu.memory_space<hbm>>) target(%arg7 : memref<160x128xf32, #tpu.memory_space<vmem>>) target_semaphore(%arg13 : memref<!tpu.dma_semaphore, #tpu.memory_space<semaphore_mem>>)
      %dma_start3A_128 = arith.constant 0 : i32
      %dma_start3A_129 = tpu.memref_slice %arg10[%dma_start3A_128] : memref<176xi32, #tpu.memory_space<vmem>> -> memref<160xi32, #tpu.memory_space<vmem>>
      %dma_start3A_130 = tpu.memref_slice %arg5[%mul3A_125] : memref<10000xi32, #tpu.memory_space<hbm>> -> memref<160xi32, #tpu.memory_space<hbm>>
      %dma_start3A_131 = arith.constant 0 : i32
      %dma_start3A_132 = tpu.memref_slice %arg10[%dma_start3A_131] : memref<176xi32, #tpu.memory_space<vmem>> -> memref<160xi32, #tpu.memory_space<vmem>>
      %dma_start3A_133 = tpu.memref_slice %arg5[%mul3A_125] : memref<10000xi32, #tpu.memory_space<hbm>> -> memref<160xi32, #tpu.memory_space<hbm>>
      tpu.enqueue_dma source(%dma_start3A_133 : memref<160xi32, #tpu.memory_space<hbm>>) target(%dma_start3A_132 : memref<160xi32, #tpu.memory_space<vmem>>) target_semaphore(%arg15 : memref<!tpu.dma_semaphore, #tpu.memory_space<semaphore_mem>>)
    } else {
    }
    %scan3A = arith.constant 0 : i32
    %scan3A_91 = arith.constant 0 : i32
    %scan3A_92 = arith.constant 32 : i32
    %scan3A_93 = arith.addi %scan3A_91, %scan3A_92 : i32
    %scan3A_94 = arith.constant 1 : i32
    %scan3A_95 = scf.for %scan3A_99 = %scan3A_91 to %scan3A_93 step %scan3A_94 iter_args(%scan3A_100 = %scan3A) -> (i32)  : i32 {
      %mul3A_101 = arith.constant 2 : i32
      %mul3A_102 = arith.muli %mul3A_101, %scan3A_99 : i32
      %mul3A_103 = arith.constant 160 : i32
      %mul3A_104 = arith.muli %mul3A_102, %mul3A_103 : i32
      %add3A_105 = arith.addi %mul3A_73, %mul3A_104 : i32
      %add3A_106 = arith.constant 160 : i32
      %add3A_107 = arith.addi %add3A_105, %add3A_106 : i32
      %add3A_108 = arith.constant 160 : i32
      %add3A_109 = arith.addi %add3A_107, %add3A_108 : i32
      %lt3A_110 = arith.cmpi slt, %add3A_105, %squeeze3A_47 : i32
      %convert_element_type3A_111 = arith.extui %lt3A_110 : i1 to i32
      %cond3A_112 = arith.constant 0 : i32
      %cond3A_113 = arith.cmpi ne, %convert_element_type3A_111, %cond3A_112 : i32
      %cond3A_114 = scf.if %cond3A_113 -> (i32) {
        %lt3A_115 = arith.cmpi slt, %add3A_107, %squeeze3A_47 : i32
        %convert_element_type3A_116 = arith.extui %lt3A_115 : i1 to i32
        %cond3A_117 = arith.constant 0 : i32
        %cond3A_118 = arith.cmpi ne, %convert_element_type3A_116, %cond3A_117 : i32
        scf.if %cond3A_118 {
          %min3A_307 = arith.constant 9840 : i32
          %min3A_308 = arith.minsi %add3A_107, %min3A_307 : i32
          %jit3A_309 = arith.constant 8 : i32
          %div3A_310 = arith.divsi %min3A_308, %jit3A_309 : i32
          %sign3A_311 = arith.constant 0 : i32
          %sign3A_312 = arith.cmpi sgt, %min3A_308, %sign3A_311 : i32
          %sign3A_313 = arith.extui %sign3A_312 : i1 to i32
          %sign3A_314 = arith.constant 0 : i32
          %sign3A_315 = arith.cmpi slt, %min3A_308, %sign3A_314 : i32
          %sign3A_316 = arith.extui %sign3A_315 : i1 to i32
          %sign3A_317 = arith.subi %sign3A_313, %sign3A_316 : i32
          %sign3A_318 = arith.constant 0 : i32
          %sign3A_319 = arith.cmpi sgt, %jit3A_309, %sign3A_318 : i32
          %sign3A_320 = arith.extui %sign3A_319 : i1 to i32
          %sign3A_321 = arith.constant 0 : i32
          %sign3A_322 = arith.cmpi slt, %jit3A_309, %sign3A_321 : i32
          %sign3A_323 = arith.extui %sign3A_322 : i1 to i32
          %sign3A_324 = arith.subi %sign3A_320, %sign3A_323 : i32
          %ne3A_325 = arith.cmpi ne, %sign3A_317, %sign3A_324 : i32
          %rem3A_326 = arith.remsi %min3A_308, %jit3A_309 : i32
          %ne3A_327 = arith.constant 0 : i32
          %ne3A_328 = arith.cmpi ne, %rem3A_326, %ne3A_327 : i32
          %and3A_329 = arith.andi %ne3A_325, %ne3A_328 : i1
          %sub3A_330 = arith.constant 1 : i32
          %sub3A_331 = arith.subi %div3A_310, %sub3A_330 : i32
          %select_n3A_332 = arith.select %and3A_329, %sub3A_331, %div3A_310 : i32
          %mul3A_333 = arith.constant 8 : i32
          %mul3A_334 = arith.muli %select_n3A_332, %mul3A_333 : i32
          %dma_start3A_335 = tpu.memref_slice %arg2[%mul3A_334, %mul3A_32] : memref<10000x512xf32, #tpu.memory_space<hbm>> -> memref<160x128xf32, #tpu.memory_space<hbm>>
          %dma_start3A_336 = tpu.memref_slice %arg2[%mul3A_334, %mul3A_32] : memref<10000x512xf32, #tpu.memory_space<hbm>> -> memref<160x128xf32, #tpu.memory_space<hbm>>
          tpu.enqueue_dma source(%dma_start3A_336 : memref<160x128xf32, #tpu.memory_space<hbm>>) target(%arg8 : memref<160x128xf32, #tpu.memory_space<vmem>>) target_semaphore(%arg14 : memref<!tpu.dma_semaphore, #tpu.memory_space<semaphore_mem>>)
          %dma_start3A_337 = arith.constant 0 : i32
          %dma_start3A_338 = tpu.memref_slice %arg11[%dma_start3A_337] : memref<176xi32, #tpu.memory_space<vmem>> -> memref<160xi32, #tpu.memory_space<vmem>>
          %dma_start3A_339 = tpu.memref_slice %arg5[%mul3A_334] : memref<10000xi32, #tpu.memory_space<hbm>> -> memref<160xi32, #tpu.memory_space<hbm>>
          %dma_start3A_340 = arith.constant 0 : i32
          %dma_start3A_341 = tpu.memref_slice %arg11[%dma_start3A_340] : memref<176xi32, #tpu.memory_space<vmem>> -> memref<160xi32, #tpu.memory_space<vmem>>
          %dma_start3A_342 = tpu.memref_slice %arg5[%mul3A_334] : memref<10000xi32, #tpu.memory_space<hbm>> -> memref<160xi32, #tpu.memory_space<hbm>>
          tpu.enqueue_dma source(%dma_start3A_342 : memref<160xi32, #tpu.memory_space<hbm>>) target(%dma_start3A_341 : memref<160xi32, #tpu.memory_space<vmem>>) target_semaphore(%arg16 : memref<!tpu.dma_semaphore, #tpu.memory_space<semaphore_mem>>)
        } else {
        }
        %min3A = arith.constant 9840 : i32
        %min3A_119 = arith.minsi %add3A_105, %min3A : i32
        %jit3A_120 = arith.constant 8 : i32
        %div3A_121 = arith.divsi %min3A_119, %jit3A_120 : i32
        %sign3A_122 = arith.constant 0 : i32
        %sign3A_123 = arith.cmpi sgt, %min3A_119, %sign3A_122 : i32
        %sign3A_124 = arith.extui %sign3A_123 : i1 to i32
        %sign3A_125 = arith.constant 0 : i32
        %sign3A_126 = arith.cmpi slt, %min3A_119, %sign3A_125 : i32
        %sign3A_127 = arith.extui %sign3A_126 : i1 to i32
        %sign3A_128 = arith.subi %sign3A_124, %sign3A_127 : i32
        %sign3A_129 = arith.constant 0 : i32
        %sign3A_130 = arith.cmpi sgt, %jit3A_120, %sign3A_129 : i32
        %sign3A_131 = arith.extui %sign3A_130 : i1 to i32
        %sign3A_132 = arith.constant 0 : i32
        %sign3A_133 = arith.cmpi slt, %jit3A_120, %sign3A_132 : i32
        %sign3A_134 = arith.extui %sign3A_133 : i1 to i32
        %sign3A_135 = arith.subi %sign3A_131, %sign3A_134 : i32
        %ne3A_136 = arith.cmpi ne, %sign3A_128, %sign3A_135 : i32
        %rem3A_137 = arith.remsi %min3A_119, %jit3A_120 : i32
        %ne3A_138 = arith.constant 0 : i32
        %ne3A_139 = arith.cmpi ne, %rem3A_137, %ne3A_138 : i32
        %and3A_140 = arith.andi %ne3A_136, %ne3A_139 : i1
        %sub3A_141 = arith.constant 1 : i32
        %sub3A_142 = arith.subi %div3A_121, %sub3A_141 : i32
        %select_n3A_143 = arith.select %and3A_140, %sub3A_142, %div3A_121 : i32
        %mul3A_144 = arith.constant 8 : i32
        %mul3A_145 = arith.muli %select_n3A_143, %mul3A_144 : i32
        %dma_wait3A_146 = tpu.memref_slice %arg2[%mul3A_145, %mul3A_32] : memref<10000x512xf32, #tpu.memory_space<hbm>> -> memref<160x128xf32, #tpu.memory_space<hbm>>
        %dma_wait3A_147 = tpu.memref_slice %arg2[%mul3A_145, %mul3A_32] : memref<10000x512xf32, #tpu.memory_space<hbm>> -> memref<160x128xf32, #tpu.memory_space<hbm>>
        tpu.wait_dma2 semaphore(%arg13 : memref<!tpu.dma_semaphore, #tpu.memory_space<semaphore_mem>>) src(%dma_wait3A_147 : memref<160x128xf32, #tpu.memory_space<hbm>>) dst(%arg7 : memref<160x128xf32, #tpu.memory_space<vmem>>)
        %dma_wait3A_148 = arith.constant 0 : i32
        %dma_wait3A_149 = tpu.memref_slice %arg10[%dma_wait3A_148] : memref<176xi32, #tpu.memory_space<vmem>> -> memref<160xi32, #tpu.memory_space<vmem>>
        %dma_wait3A_150 = tpu.memref_slice %arg5[%mul3A_145] : memref<10000xi32, #tpu.memory_space<hbm>> -> memref<160xi32, #tpu.memory_space<hbm>>
        %dma_wait3A_151 = arith.constant 0 : i32
        %dma_wait3A_152 = tpu.memref_slice %arg10[%dma_wait3A_151] : memref<176xi32, #tpu.memory_space<vmem>> -> memref<160xi32, #tpu.memory_space<vmem>>
        %dma_wait3A_153 = tpu.memref_slice %arg5[%mul3A_145] : memref<10000xi32, #tpu.memory_space<hbm>> -> memref<160xi32, #tpu.memory_space<hbm>>
        tpu.wait_dma2 semaphore(%arg15 : memref<!tpu.dma_semaphore, #tpu.memory_space<semaphore_mem>>) src(%dma_wait3A_153 : memref<160xi32, #tpu.memory_space<hbm>>) dst(%dma_wait3A_152 : memref<160xi32, #tpu.memory_space<vmem>>)
        %min3A_154 = arith.constant 9840 : i32
        %min3A_155 = arith.minsi %add3A_105, %min3A_154 : i32
        %jit3A_156 = arith.constant 8 : i32
        %div3A_157 = arith.divsi %min3A_155, %jit3A_156 : i32
        %sign3A_158 = arith.constant 0 : i32
        %sign3A_159 = arith.cmpi sgt, %min3A_155, %sign3A_158 : i32
        %sign3A_160 = arith.extui %sign3A_159 : i1 to i32
        %sign3A_161 = arith.constant 0 : i32
        %sign3A_162 = arith.cmpi slt, %min3A_155, %sign3A_161 : i32
        %sign3A_163 = arith.extui %sign3A_162 : i1 to i32
        %sign3A_164 = arith.subi %sign3A_160, %sign3A_163 : i32
        %sign3A_165 = arith.constant 0 : i32
        %sign3A_166 = arith.cmpi sgt, %jit3A_156, %sign3A_165 : i32
        %sign3A_167 = arith.extui %sign3A_166 : i1 to i32
        %sign3A_168 = arith.constant 0 : i32
        %sign3A_169 = arith.cmpi slt, %jit3A_156, %sign3A_168 : i32
        %sign3A_170 = arith.extui %sign3A_169 : i1 to i32
        %sign3A_171 = arith.subi %sign3A_167, %sign3A_170 : i32
        %ne3A_172 = arith.cmpi ne, %sign3A_164, %sign3A_171 : i32
        %rem3A_173 = arith.remsi %min3A_155, %jit3A_156 : i32
        %ne3A_174 = arith.constant 0 : i32
        %ne3A_175 = arith.cmpi ne, %rem3A_173, %ne3A_174 : i32
        %and3A_176 = arith.andi %ne3A_172, %ne3A_175 : i1
        %sub3A_177 = arith.constant 1 : i32
        %sub3A_178 = arith.subi %div3A_157, %sub3A_177 : i32
        %select_n3A_179 = arith.select %and3A_176, %sub3A_178, %div3A_157 : i32
        %mul3A_180 = arith.constant 8 : i32
        %mul3A_181 = arith.muli %select_n3A_179, %mul3A_180 : i32
        %add3A_182 = arith.constant 160 : i32
        %add3A_183 = arith.addi %add3A_105, %add3A_182 : i32
        %min3A_184 = arith.minsi %add3A_183, %squeeze3A_47 : i32
        %sub3A_185 = arith.constant 1 : i32
        %sub3A_186 = arith.subi %min3A_184, %sub3A_185 : i32
        %sub3A_187 = arith.subi %sub3A_186, %mul3A_181 : i32
        %get3A_188 = arith.index_cast %sub3A_187 : i32 to index
        %get3A_189 = tpu.vector_load %arg10[%get3A_188] {strides = array<i32>} : memref<176xi32, #tpu.memory_space<vmem>>, vector<16xi32>,
        %get3A_190 = vector.shape_cast %get3A_189 : vector<16xi32> to vector<16xi32>
        %slice3A_191 = vector.extract_strided_slice %get3A_190 {offsets = [0], sizes = [1], strides = [1]} : vector<16xi32> to vector<1xi32>
        %squeeze3A_192 = vector.extract %slice3A_191[0] : i32 from vector<1xi32>
        %mul3A_193 = arith.constant 64 : i32
        %mul3A_194 = arith.muli %select_n3A, %mul3A_193 : i32
        %sub3A_195 = arith.subi %squeeze3A_192, %mul3A_194 : i32
        %while3A = arith.constant 0 : i32
        %while3A_196 = arith.subi %sub3A_195, %scan3A_100 : i32
        %while3A_197 = arith.addi %scan3A_100, %while3A_196 : i32
        %while3A_198 = arith.constant 1 : i32
        %while3A_199 = arith.divsi %while3A_196, %while3A_198 : i32
        %while3A_200 = arith.muli %while3A_199, %while3A_198 : i32
        %while3A_201 = arith.addi %scan3A_100, %while3A_200 : i32
        %while3A_202 = arith.constant 1 : i32
        scf.for %while3A_307 = %scan3A_100 to %while3A_201 step %while3A_202  : i32 {
          %get3A_308 = arith.index_cast %while3A_307 : i32 to index
          %get3A_309 = tpu.vector_load %arg9[%get3A_308] {strides = array<i32>} : memref<80xi32, #tpu.memory_space<vmem>>, vector<16xi32>,
          %get3A_310 = vector.shape_cast %get3A_309 : vector<16xi32> to vector<16xi32>
          %slice3A_311 = vector.extract_strided_slice %get3A_310 {offsets = [0], sizes = [1], strides = [1]} : vector<16xi32> to vector<1xi32>
          %squeeze3A_312 = vector.extract %slice3A_311[0] : i32 from vector<1xi32>
          %max3A_313 = arith.maxsi %squeeze3A_312, %add3A_105 : i32
          %add3A_314 = arith.constant 1 : i32
          %add3A_315 = arith.addi %while3A_307, %add3A_314 : i32
          %get3A_316 = arith.index_cast %add3A_315 : i32 to index
          %get3A_317 = tpu.vector_load %arg9[%get3A_316] {strides = array<i32>} : memref<80xi32, #tpu.memory_space<vmem>>, vector<16xi32>,
          %get3A_318 = vector.shape_cast %get3A_317 : vector<16xi32> to vector<16xi32>
          %slice3A_319 = vector.extract_strided_slice %get3A_318 {offsets = [0], sizes = [1], strides = [1]} : vector<16xi32> to vector<1xi32>
          %squeeze3A_320 = vector.extract %slice3A_319[0] : i32 from vector<1xi32>
          %while3A_321 = arith.subi %squeeze3A_320, %max3A_313 : i32
          %while3A_322 = arith.addi %max3A_313, %while3A_321 : i32
          %while3A_323 = arith.constant 1 : i32
          %while3A_324 = arith.divsi %while3A_321, %while3A_323 : i32
          %while3A_325 = arith.muli %while3A_324, %while3A_323 : i32
          %while3A_326 = arith.addi %max3A_313, %while3A_325 : i32
          %while3A_327 = arith.constant 1 : i32
          %while3A_328:8 = scf.for %while3A_411 = %max3A_313 to %while3A_326 step %while3A_327 iter_args(%while3A_412 = %broadcast_in_dim3A_74, %while3A_413 = %broadcast_in_dim3A_76, %while3A_414 = %broadcast_in_dim3A_78, %while3A_415 = %broadcast_in_dim3A_80, %while3A_416 = %broadcast_in_dim3A_82, %while3A_417 = %broadcast_in_dim3A_84, %while3A_418 = %broadcast_in_dim3A_86, %while3A_419 = %broadcast_in_dim3A_88) -> (vector<16xf32>, vector<16xf32>, vector<16xf32>, vector<16xf32>, vector<16xf32>, vector<16xf32>, vector<16xf32>, vector<16xf32>)  : i32 {
            %sub3A_420 = arith.subi %while3A_411, %mul3A_181 : i32
            %get3A_421 = arith.index_cast %sub3A_420 : i32 to index
            %get3A_422 = arith.constant 0 : index
            %get3A_423 = tpu.vector_load %arg7[%get3A_421, %get3A_422] {strides = array<i32>} : memref<160x128xf32, #tpu.memory_space<vmem>>, vector<1x16xf32>,
            %get3A_424 = vector.shape_cast %get3A_423 : vector<1x16xf32> to vector<16xf32>
            %add3A_425 = arith.addf %while3A_412, %get3A_424 : vector<16xf32>
            %sub3A_426 = arith.subi %while3A_411, %mul3A_181 : i32
            %get3A_427 = arith.index_cast %sub3A_426 : i32 to index
            %get3A_428 = arith.constant 16 : index
            %get3A_429 = tpu.vector_load %arg7[%get3A_427, %get3A_428] {strides = array<i32>} : memref<160x128xf32, #tpu.memory_space<vmem>>, vector<1x16xf32>,
            %get3A_430 = vector.shape_cast %get3A_429 : vector<1x16xf32> to vector<16xf32>
            %add3A_431 = arith.addf %while3A_413, %get3A_430 : vector<16xf32>
            %sub3A_432 = arith.subi %while3A_411, %mul3A_181 : i32
            %get3A_433 = arith.index_cast %sub3A_432 : i32 to index
            %get3A_434 = arith.constant 32 : index
            %get3A_435 = tpu.vector_load %arg7[%get3A_433, %get3A_434] {strides = array<i32>} : memref<160x128xf32, #tpu.memory_space<vmem>>, vector<1x16xf32>,
            %get3A_436 = vector.shape_cast %get3A_435 : vector<1x16xf32> to vector<16xf32>
            %add3A_437 = arith.addf %while3A_414, %get3A_436 : vector<16xf32>
            %sub3A_438 = arith.subi %while3A_411, %mul3A_181 : i32
            %get3A_439 = arith.index_cast %sub3A_438 : i32 to index
            %get3A_440 = arith.constant 48 : index
            %get3A_441 = tpu.vector_load %arg7[%get3A_439, %get3A_440] {strides = array<i32>} : memref<160x128xf32, #tpu.memory_space<vmem>>, vector<1x16xf32>,
            %get3A_442 = vector.shape_cast %get3A_441 : vector<1x16xf32> to vector<16xf32>
            %add3A_443 = arith.addf %while3A_415, %get3A_442 : vector<16xf32>
            %sub3A_444 = arith.subi %while3A_411, %mul3A_181 : i32
            %get3A_445 = arith.index_cast %sub3A_444 : i32 to index
            %get3A_446 = arith.constant 64 : index
            %get3A_447 = tpu.vector_load %arg7[%get3A_445, %get3A_446] {strides = array<i32>} : memref<160x128xf32, #tpu.memory_space<vmem>>, vector<1x16xf32>,
            %get3A_448 = vector.shape_cast %get3A_447 : vector<1x16xf32> to vector<16xf32>
            %add3A_449 = arith.addf %while3A_416, %get3A_448 : vector<16xf32>
            %sub3A_450 = arith.subi %while3A_411, %mul3A_181 : i32
            %get3A_451 = arith.index_cast %sub3A_450 : i32 to index
            %get3A_452 = arith.constant 80 : index
            %get3A_453 = tpu.vector_load %arg7[%get3A_451, %get3A_452] {strides = array<i32>} : memref<160x128xf32, #tpu.memory_space<vmem>>, vector<1x16xf32>,
            %get3A_454 = vector.shape_cast %get3A_453 : vector<1x16xf32> to vector<16xf32>
            %add3A_455 = arith.addf %while3A_417, %get3A_454 : vector<16xf32>
            %sub3A_456 = arith.subi %while3A_411, %mul3A_181 : i32
            %get3A_457 = arith.index_cast %sub3A_456 : i32 to index
            %get3A_458 = arith.constant 96 : index
            %get3A_459 = tpu.vector_load %arg7[%get3A_457, %get3A_458] {strides = array<i32>} : memref<160x128xf32, #tpu.memory_space<vmem>>, vector<1x16xf32>,
            %get3A_460 = vector.shape_cast %get3A_459 : vector<1x16xf32> to vector<16xf32>
            %add3A_461 = arith.addf %while3A_418, %get3A_460 : vector<16xf32>
            %sub3A_462 = arith.subi %while3A_411, %mul3A_181 : i32
            %get3A_463 = arith.index_cast %sub3A_462 : i32 to index
            %get3A_464 = arith.constant 112 : index
            %get3A_465 = tpu.vector_load %arg7[%get3A_463, %get3A_464] {strides = array<i32>} : memref<160x128xf32, #tpu.memory_space<vmem>>, vector<1x16xf32>,
            %get3A_466 = vector.shape_cast %get3A_465 : vector<1x16xf32> to vector<16xf32>
            %add3A_467 = arith.addf %while3A_419, %get3A_466 : vector<16xf32>
            scf.yield %add3A_425, %add3A_431, %add3A_437, %add3A_443, %add3A_449, %add3A_455, %add3A_461, %add3A_467 : vector<16xf32>, vector<16xf32>, vector<16xf32>, vector<16xf32>, vector<16xf32>, vector<16xf32>, vector<16xf32>, vector<16xf32>
          }
          %while3A_329 = arith.constant 1 : i32
          %while3A_330:8 = scf.for %while3A_411 = %while3A_326 to %while3A_322 step %while3A_329 iter_args(%while3A_412 = %while3A_328#0, %while3A_413 = %while3A_328#1, %while3A_414 = %while3A_328#2, %while3A_415 = %while3A_328#3, %while3A_416 = %while3A_328#4, %while3A_417 = %while3A_328#5, %while3A_418 = %while3A_328#6, %while3A_419 = %while3A_328#7) -> (vector<16xf32>, vector<16xf32>, vector<16xf32>, vector<16xf32>, vector<16xf32>, vector<16xf32>, vector<16xf32>, vector<16xf32>)  : i32 {
            %sub3A_420 = arith.subi %while3A_411, %mul3A_181 : i32
            %get3A_421 = arith.index_cast %sub3A_420 : i32 to index
            %get3A_422 = arith.constant 0 : index
            %get3A_423 = tpu.vector_load %arg7[%get3A_421, %get3A_422] {strides = array<i32>} : memref<160x128xf32, #tpu.memory_space<vmem>>, vector<1x16xf32>,
            %get3A_424 = vector.shape_cast %get3A_423 : vector<1x16xf32> to vector<16xf32>
            %add3A_425 = arith.addf %while3A_412, %get3A_424 : vector<16xf32>
            %sub3A_426 = arith.subi %while3A_411, %mul3A_181 : i32
            %get3A_427 = arith.index_cast %sub3A_426 : i32 to index
            %get3A_428 = arith.constant 16 : index
            %get3A_429 = tpu.vector_load %arg7[%get3A_427, %get3A_428] {strides = array<i32>} : memref<160x128xf32, #tpu.memory_space<vmem>>, vector<1x16xf32>,
            %get3A_430 = vector.shape_cast %get3A_429 : vector<1x16xf32> to vector<16xf32>
            %add3A_431 = arith.addf %while3A_413, %get3A_430 : vector<16xf32>
            %sub3A_432 = arith.subi %while3A_411, %mul3A_181 : i32
            %get3A_433 = arith.index_cast %sub3A_432 : i32 to index
            %get3A_434 = arith.constant 32 : index
            %get3A_435 = tpu.vector_load %arg7[%get3A_433, %get3A_434] {strides = array<i32>} : memref<160x128xf32, #tpu.memory_space<vmem>>, vector<1x16xf32>,
            %get3A_436 = vector.shape_cast %get3A_435 : vector<1x16xf32> to vector<16xf32>
            %add3A_437 = arith.addf %while3A_414, %get3A_436 : vector<16xf32>
            %sub3A_438 = arith.subi %while3A_411, %mul3A_181 : i32
            %get3A_439 = arith.index_cast %sub3A_438 : i32 to index
            %get3A_440 = arith.constant 48 : index
            %get3A_441 = tpu.vector_load %arg7[%get3A_439, %get3A_440] {strides = array<i32>} : memref<160x128xf32, #tpu.memory_space<vmem>>, vector<1x16xf32>,
            %get3A_442 = vector.shape_cast %get3A_441 : vector<1x16xf32> to vector<16xf32>
            %add3A_443 = arith.addf %while3A_415, %get3A_442 : vector<16xf32>
            %sub3A_444 = arith.subi %while3A_411, %mul3A_181 : i32
            %get3A_445 = arith.index_cast %sub3A_444 : i32 to index
            %get3A_446 = arith.constant 64 : index
            %get3A_447 = tpu.vector_load %arg7[%get3A_445, %get3A_446] {strides = array<i32>} : memref<160x128xf32, #tpu.memory_space<vmem>>, vector<1x16xf32>,
            %get3A_448 = vector.shape_cast %get3A_447 : vector<1x16xf32> to vector<16xf32>
            %add3A_449 = arith.addf %while3A_416, %get3A_448 : vector<16xf32>
            %sub3A_450 = arith.subi %while3A_411, %mul3A_181 : i32
            %get3A_451 = arith.index_cast %sub3A_450 : i32 to index
            %get3A_452 = arith.constant 80 : index
            %get3A_453 = tpu.vector_load %arg7[%get3A_451, %get3A_452] {strides = array<i32>} : memref<160x128xf32, #tpu.memory_space<vmem>>, vector<1x16xf32>,
            %get3A_454 = vector.shape_cast %get3A_453 : vector<1x16xf32> to vector<16xf32>
            %add3A_455 = arith.addf %while3A_417, %get3A_454 : vector<16xf32>
            %sub3A_456 = arith.subi %while3A_411, %mul3A_181 : i32
            %get3A_457 = arith.index_cast %sub3A_456 : i32 to index
            %get3A_458 = arith.constant 96 : index
            %get3A_459 = tpu.vector_load %arg7[%get3A_457, %get3A_458] {strides = array<i32>} : memref<160x128xf32, #tpu.memory_space<vmem>>, vector<1x16xf32>,
            %get3A_460 = vector.shape_cast %get3A_459 : vector<1x16xf32> to vector<16xf32>
            %add3A_461 = arith.addf %while3A_418, %get3A_460 : vector<16xf32>
            %sub3A_462 = arith.subi %while3A_411, %mul3A_181 : i32
            %get3A_463 = arith.index_cast %sub3A_462 : i32 to index
            %get3A_464 = arith.constant 112 : index
            %get3A_465 = tpu.vector_load %arg7[%get3A_463, %get3A_464] {strides = array<i32>} : memref<160x128xf32, #tpu.memory_space<vmem>>, vector<1x16xf32>,
            %get3A_466 = vector.shape_cast %get3A_465 : vector<1x16xf32> to vector<16xf32>
            %add3A_467 = arith.addf %while3A_419, %get3A_466 : vector<16xf32>
            scf.yield %add3A_425, %add3A_431, %add3A_437, %add3A_443, %add3A_449, %add3A_455, %add3A_461, %add3A_467 : vector<16xf32>, vector<16xf32>, vector<16xf32>, vector<16xf32>, vector<16xf32>, vector<16xf32>, vector<16xf32>, vector<16xf32>
          }
          %get3A_331 = arith.index_cast %while3A_307 : i32 to index
          %get3A_332 = arith.constant 0 : index
          %get3A_333 = tpu.vector_load %arg12[%get3A_331, %get3A_332] {strides = array<i32>} : memref<64x128xf32, #tpu.memory_space<vmem>>, vector<1x16xf32>,
          %get3A_334 = vector.shape_cast %get3A_333 : vector<1x16xf32> to vector<16xf32>
          %add3A_335 = arith.addf %get3A_334, %while3A_330#0 : vector<16xf32>
          %swap3A_336 = arith.index_cast %while3A_307 : i32 to index
          %swap3A_337 = arith.constant 0 : index
          %swap3A_338 = tpu.vector_load %arg12[%swap3A_336, %swap3A_337] {strides = array<i32>} : memref<64x128xf32, #tpu.memory_space<vmem>>, vector<1x16xf32>,
          %swap3A_339 = vector.shape_cast %swap3A_338 : vector<1x16xf32> to vector<16xf32>
          %swap3A_340 = vector.shape_cast %add3A_335 : vector<16xf32> to vector<1x16xf32>
          tpu.vector_store %arg12[%swap3A_336, %swap3A_337], %swap3A_340 {strides = array<i32>} : memref<64x128xf32, #tpu.memory_space<vmem>>, vector<1x16xf32>,
          %get3A_341 = arith.index_cast %while3A_307 : i32 to index
          %get3A_342 = arith.constant 16 : index
          %get3A_343 = tpu.vector_load %arg12[%get3A_341, %get3A_342] {strides = array<i32>} : memref<64x128xf32, #tpu.memory_space<vmem>>, vector<1x16xf32>,
          %get3A_344 = vector.shape_cast %get3A_343 : vector<1x16xf32> to vector<16xf32>
          %add3A_345 = arith.addf %get3A_344, %while3A_330#1 : vector<16xf32>
          %swap3A_346 = arith.index_cast %while3A_307 : i32 to index
          %swap3A_347 = arith.constant 16 : index
          %swap3A_348 = tpu.vector_load %arg12[%swap3A_346, %swap3A_347] {strides = array<i32>} : memref<64x128xf32, #tpu.memory_space<vmem>>, vector<1x16xf32>,
          %swap3A_349 = vector.shape_cast %swap3A_348 : vector<1x16xf32> to vector<16xf32>
          %swap3A_350 = vector.shape_cast %add3A_345 : vector<16xf32> to vector<1x16xf32>
          tpu.vector_store %arg12[%swap3A_346, %swap3A_347], %swap3A_350 {strides = array<i32>} : memref<64x128xf32, #tpu.memory_space<vmem>>, vector<1x16xf32>,
          %get3A_351 = arith.index_cast %while3A_307 : i32 to index
          %get3A_352 = arith.constant 32 : index
          %get3A_353 = tpu.vector_load %arg12[%get3A_351, %get3A_352] {strides = array<i32>} : memref<64x128xf32, #tpu.memory_space<vmem>>, vector<1x16xf32>,
          %get3A_354 = vector.shape_cast %get3A_353 : vector<1x16xf32> to vector<16xf32>
          %add3A_355 = arith.addf %get3A_354, %while3A_330#2 : vector<16xf32>
          %swap3A_356 = arith.index_cast %while3A_307 : i32 to index
          %swap3A_357 = arith.constant 32 : index
          %swap3A_358 = tpu.vector_load %arg12[%swap3A_356, %swap3A_357] {strides = array<i32>} : memref<64x128xf32, #tpu.memory_space<vmem>>, vector<1x16xf32>,
          %swap3A_359 = vector.shape_cast %swap3A_358 : vector<1x16xf32> to vector<16xf32>
          %swap3A_360 = vector.shape_cast %add3A_355 : vector<16xf32> to vector<1x16xf32>
          tpu.vector_store %arg12[%swap3A_356, %swap3A_357], %swap3A_360 {strides = array<i32>} : memref<64x128xf32, #tpu.memory_space<vmem>>, vector<1x16xf32>,
          %get3A_361 = arith.index_cast %while3A_307 : i32 to index
          %get3A_362 = arith.constant 48 : index
          %get3A_363 = tpu.vector_load %arg12[%get3A_361, %get3A_362] {strides = array<i32>} : memref<64x128xf32, #tpu.memory_space<vmem>>, vector<1x16xf32>,
          %get3A_364 = vector.shape_cast %get3A_363 : vector<1x16xf32> to vector<16xf32>
          %add3A_365 = arith.addf %get3A_364, %while3A_330#3 : vector<16xf32>
          %swap3A_366 = arith.index_cast %while3A_307 : i32 to index
          %swap3A_367 = arith.constant 48 : index
          %swap3A_368 = tpu.vector_load %arg12[%swap3A_366, %swap3A_367] {strides = array<i32>} : memref<64x128xf32, #tpu.memory_space<vmem>>, vector<1x16xf32>,
          %swap3A_369 = vector.shape_cast %swap3A_368 : vector<1x16xf32> to vector<16xf32>
          %swap3A_370 = vector.shape_cast %add3A_365 : vector<16xf32> to vector<1x16xf32>
          tpu.vector_store %arg12[%swap3A_366, %swap3A_367], %swap3A_370 {strides = array<i32>} : memref<64x128xf32, #tpu.memory_space<vmem>>, vector<1x16xf32>,
          %get3A_371 = arith.index_cast %while3A_307 : i32 to index
          %get3A_372 = arith.constant 64 : index
          %get3A_373 = tpu.vector_load %arg12[%get3A_371, %get3A_372] {strides = array<i32>} : memref<64x128xf32, #tpu.memory_space<vmem>>, vector<1x16xf32>,
          %get3A_374 = vector.shape_cast %get3A_373 : vector<1x16xf32> to vector<16xf32>
          %add3A_375 = arith.addf %get3A_374, %while3A_330#4 : vector<16xf32>
          %swap3A_376 = arith.index_cast %while3A_307 : i32 to index
          %swap3A_377 = arith.constant 64 : index
          %swap3A_378 = tpu.vector_load %arg12[%swap3A_376, %swap3A_377] {strides = array<i32>} : memref<64x128xf32, #tpu.memory_space<vmem>>, vector<1x16xf32>,
          %swap3A_379 = vector.shape_cast %swap3A_378 : vector<1x16xf32> to vector<16xf32>
          %swap3A_380 = vector.shape_cast %add3A_375 : vector<16xf32> to vector<1x16xf32>
          tpu.vector_store %arg12[%swap3A_376, %swap3A_377], %swap3A_380 {strides = array<i32>} : memref<64x128xf32, #tpu.memory_space<vmem>>, vector<1x16xf32>,
          %get3A_381 = arith.index_cast %while3A_307 : i32 to index
          %get3A_382 = arith.constant 80 : index
          %get3A_383 = tpu.vector_load %arg12[%get3A_381, %get3A_382] {strides = array<i32>} : memref<64x128xf32, #tpu.memory_space<vmem>>, vector<1x16xf32>,
          %get3A_384 = vector.shape_cast %get3A_383 : vector<1x16xf32> to vector<16xf32>
          %add3A_385 = arith.addf %get3A_384, %while3A_330#5 : vector<16xf32>
          %swap3A_386 = arith.index_cast %while3A_307 : i32 to index
          %swap3A_387 = arith.constant 80 : index
          %swap3A_388 = tpu.vector_load %arg12[%swap3A_386, %swap3A_387] {strides = array<i32>} : memref<64x128xf32, #tpu.memory_space<vmem>>, vector<1x16xf32>,
          %swap3A_389 = vector.shape_cast %swap3A_388 : vector<1x16xf32> to vector<16xf32>
          %swap3A_390 = vector.shape_cast %add3A_385 : vector<16xf32> to vector<1x16xf32>
          tpu.vector_store %arg12[%swap3A_386, %swap3A_387], %swap3A_390 {strides = array<i32>} : memref<64x128xf32, #tpu.memory_space<vmem>>, vector<1x16xf32>,
          %get3A_391 = arith.index_cast %while3A_307 : i32 to index
          %get3A_392 = arith.constant 96 : index
          %get3A_393 = tpu.vector_load %arg12[%get3A_391, %get3A_392] {strides = array<i32>} : memref<64x128xf32, #tpu.memory_space<vmem>>, vector<1x16xf32>,
          %get3A_394 = vector.shape_cast %get3A_393 : vector<1x16xf32> to vector<16xf32>
          %add3A_395 = arith.addf %get3A_394, %while3A_330#6 : vector<16xf32>
          %swap3A_396 = arith.index_cast %while3A_307 : i32 to index
          %swap3A_397 = arith.constant 96 : index
          %swap3A_398 = tpu.vector_load %arg12[%swap3A_396, %swap3A_397] {strides = array<i32>} : memref<64x128xf32, #tpu.memory_space<vmem>>, vector<1x16xf32>,
          %swap3A_399 = vector.shape_cast %swap3A_398 : vector<1x16xf32> to vector<16xf32>
          %swap3A_400 = vector.shape_cast %add3A_395 : vector<16xf32> to vector<1x16xf32>
          tpu.vector_store %arg12[%swap3A_396, %swap3A_397], %swap3A_400 {strides = array<i32>} : memref<64x128xf32, #tpu.memory_space<vmem>>, vector<1x16xf32>,
          %get3A_401 = arith.index_cast %while3A_307 : i32 to index
          %get3A_402 = arith.constant 112 : index
          %get3A_403 = tpu.vector_load %arg12[%get3A_401, %get3A_402] {strides = array<i32>} : memref<64x128xf32, #tpu.memory_space<vmem>>, vector<1x16xf32>,
          %get3A_404 = vector.shape_cast %get3A_403 : vector<1x16xf32> to vector<16xf32>
          %add3A_405 = arith.addf %get3A_404, %while3A_330#7 : vector<16xf32>
          %swap3A_406 = arith.index_cast %while3A_307 : i32 to index
          %swap3A_407 = arith.constant 112 : index
          %swap3A_408 = tpu.vector_load %arg12[%swap3A_406, %swap3A_407] {strides = array<i32>} : memref<64x128xf32, #tpu.memory_space<vmem>>, vector<1x16xf32>,
          %swap3A_409 = vector.shape_cast %swap3A_408 : vector<1x16xf32> to vector<16xf32>
          %swap3A_410 = vector.shape_cast %add3A_405 : vector<16xf32> to vector<1x16xf32>
          tpu.vector_store %arg12[%swap3A_406, %swap3A_407], %swap3A_410 {strides = array<i32>} : memref<64x128xf32, #tpu.memory_space<vmem>>, vector<1x16xf32>,
        }
        %while3A_203 = arith.constant 1 : i32
        scf.for %while3A_307 = %while3A_201 to %while3A_197 step %while3A_203  : i32 {
          %get3A_308 = arith.index_cast %while3A_307 : i32 to index
          %get3A_309 = tpu.vector_load %arg9[%get3A_308] {strides = array<i32>} : memref<80xi32, #tpu.memory_space<vmem>>, vector<16xi32>,
          %get3A_310 = vector.shape_cast %get3A_309 : vector<16xi32> to vector<16xi32>
          %slice3A_311 = vector.extract_strided_slice %get3A_310 {offsets = [0], sizes = [1], strides = [1]} : vector<16xi32> to vector<1xi32>
          %squeeze3A_312 = vector.extract %slice3A_311[0] : i32 from vector<1xi32>
          %max3A_313 = arith.maxsi %squeeze3A_312, %add3A_105 : i32
          %add3A_314 = arith.constant 1 : i32
          %add3A_315 = arith.addi %while3A_307, %add3A_314 : i32
          %get3A_316 = arith.index_cast %add3A_315 : i32 to index
          %get3A_317 = tpu.vector_load %arg9[%get3A_316] {strides = array<i32>} : memref<80xi32, #tpu.memory_space<vmem>>, vector<16xi32>,
          %get3A_318 = vector.shape_cast %get3A_317 : vector<16xi32> to vector<16xi32>
          %slice3A_319 = vector.extract_strided_slice %get3A_318 {offsets = [0], sizes = [1], strides = [1]} : vector<16xi32> to vector<1xi32>
          %squeeze3A_320 = vector.extract %slice3A_319[0] : i32 from vector<1xi32>
          %while3A_321 = arith.subi %squeeze3A_320, %max3A_313 : i32
          %while3A_322 = arith.addi %max3A_313, %while3A_321 : i32
          %while3A_323 = arith.constant 1 : i32
          %while3A_324 = arith.divsi %while3A_321, %while3A_323 : i32
          %while3A_325 = arith.muli %while3A_324, %while3A_323 : i32
          %while3A_326 = arith.addi %max3A_313, %while3A_325 : i32
          %while3A_327 = arith.constant 1 : i32
          %while3A_328:8 = scf.for %while3A_411 = %max3A_313 to %while3A_326 step %while3A_327 iter_args(%while3A_412 = %broadcast_in_dim3A_74, %while3A_413 = %broadcast_in_dim3A_76, %while3A_414 = %broadcast_in_dim3A_78, %while3A_415 = %broadcast_in_dim3A_80, %while3A_416 = %broadcast_in_dim3A_82, %while3A_417 = %broadcast_in_dim3A_84, %while3A_418 = %broadcast_in_dim3A_86, %while3A_419 = %broadcast_in_dim3A_88) -> (vector<16xf32>, vector<16xf32>, vector<16xf32>, vector<16xf32>, vector<16xf32>, vector<16xf32>, vector<16xf32>, vector<16xf32>)  : i32 {
            %sub3A_420 = arith.subi %while3A_411, %mul3A_181 : i32
            %get3A_421 = arith.index_cast %sub3A_420 : i32 to index
            %get3A_422 = arith.constant 0 : index
            %get3A_423 = tpu.vector_load %arg7[%get3A_421, %get3A_422] {strides = array<i32>} : memref<160x128xf32, #tpu.memory_space<vmem>>, vector<1x16xf32>,
            %get3A_424 = vector.shape_cast %get3A_423 : vector<1x16xf32> to vector<16xf32>
            %add3A_425 = arith.addf %while3A_412, %get3A_424 : vector<16xf32>
            %sub3A_426 = arith.subi %while3A_411, %mul3A_181 : i32
            %get3A_427 = arith.index_cast %sub3A_426 : i32 to index
            %get3A_428 = arith.constant 16 : index
            %get3A_429 = tpu.vector_load %arg7[%get3A_427, %get3A_428] {strides = array<i32>} : memref<160x128xf32, #tpu.memory_space<vmem>>, vector<1x16xf32>,
            %get3A_430 = vector.shape_cast %get3A_429 : vector<1x16xf32> to vector<16xf32>
            %add3A_431 = arith.addf %while3A_413, %get3A_430 : vector<16xf32>
            %sub3A_432 = arith.subi %while3A_411, %mul3A_181 : i32
            %get3A_433 = arith.index_cast %sub3A_432 : i32 to index
            %get3A_434 = arith.constant 32 : index
            %get3A_435 = tpu.vector_load %arg7[%get3A_433, %get3A_434] {strides = array<i32>} : memref<160x128xf32, #tpu.memory_space<vmem>>, vector<1x16xf32>,
            %get3A_436 = vector.shape_cast %get3A_435 : vector<1x16xf32> to vector<16xf32>
            %add3A_437 = arith.addf %while3A_414, %get3A_436 : vector<16xf32>
            %sub3A_438 = arith.subi %while3A_411, %mul3A_181 : i32
            %get3A_439 = arith.index_cast %sub3A_438 : i32 to index
            %get3A_440 = arith.constant 48 : index
            %get3A_441 = tpu.vector_load %arg7[%get3A_439, %get3A_440] {strides = array<i32>} : memref<160x128xf32, #tpu.memory_space<vmem>>, vector<1x16xf32>,
            %get3A_442 = vector.shape_cast %get3A_441 : vector<1x16xf32> to vector<16xf32>
            %add3A_443 = arith.addf %while3A_415, %get3A_442 : vector<16xf32>
            %sub3A_444 = arith.subi %while3A_411, %mul3A_181 : i32
            %get3A_445 = arith.index_cast %sub3A_444 : i32 to index
            %get3A_446 = arith.constant 64 : index
            %get3A_447 = tpu.vector_load %arg7[%get3A_445, %get3A_446] {strides = array<i32>} : memref<160x128xf32, #tpu.memory_space<vmem>>, vector<1x16xf32>,
            %get3A_448 = vector.shape_cast %get3A_447 : vector<1x16xf32> to vector<16xf32>
            %add3A_449 = arith.addf %while3A_416, %get3A_448 : vector<16xf32>
            %sub3A_450 = arith.subi %while3A_411, %mul3A_181 : i32
            %get3A_451 = arith.index_cast %sub3A_450 : i32 to index
            %get3A_452 = arith.constant 80 : index
            %get3A_453 = tpu.vector_load %arg7[%get3A_451, %get3A_452] {strides = array<i32>} : memref<160x128xf32, #tpu.memory_space<vmem>>, vector<1x16xf32>,
            %get3A_454 = vector.shape_cast %get3A_453 : vector<1x16xf32> to vector<16xf32>
            %add3A_455 = arith.addf %while3A_417, %get3A_454 : vector<16xf32>
            %sub3A_456 = arith.subi %while3A_411, %mul3A_181 : i32
            %get3A_457 = arith.index_cast %sub3A_456 : i32 to index
            %get3A_458 = arith.constant 96 : index
            %get3A_459 = tpu.vector_load %arg7[%get3A_457, %get3A_458] {strides = array<i32>} : memref<160x128xf32, #tpu.memory_space<vmem>>, vector<1x16xf32>,
            %get3A_460 = vector.shape_cast %get3A_459 : vector<1x16xf32> to vector<16xf32>
            %add3A_461 = arith.addf %while3A_418, %get3A_460 : vector<16xf32>
            %sub3A_462 = arith.subi %while3A_411, %mul3A_181 : i32
            %get3A_463 = arith.index_cast %sub3A_462 : i32 to index
            %get3A_464 = arith.constant 112 : index
            %get3A_465 = tpu.vector_load %arg7[%get3A_463, %get3A_464] {strides = array<i32>} : memref<160x128xf32, #tpu.memory_space<vmem>>, vector<1x16xf32>,
            %get3A_466 = vector.shape_cast %get3A_465 : vector<1x16xf32> to vector<16xf32>
            %add3A_467 = arith.addf %while3A_419, %get3A_466 : vector<16xf32>
            scf.yield %add3A_425, %add3A_431, %add3A_437, %add3A_443, %add3A_449, %add3A_455, %add3A_461, %add3A_467 : vector<16xf32>, vector<16xf32>, vector<16xf32>, vector<16xf32>, vector<16xf32>, vector<16xf32>, vector<16xf32>, vector<16xf32>
          }
          %while3A_329 = arith.constant 1 : i32
          %while3A_330:8 = scf.for %while3A_411 = %while3A_326 to %while3A_322 step %while3A_329 iter_args(%while3A_412 = %while3A_328#0, %while3A_413 = %while3A_328#1, %while3A_414 = %while3A_328#2, %while3A_415 = %while3A_328#3, %while3A_416 = %while3A_328#4, %while3A_417 = %while3A_328#5, %while3A_418 = %while3A_328#6, %while3A_419 = %while3A_328#7) -> (vector<16xf32>, vector<16xf32>, vector<16xf32>, vector<16xf32>, vector<16xf32>, vector<16xf32>, vector<16xf32>, vector<16xf32>)  : i32 {
            %sub3A_420 = arith.subi %while3A_411, %mul3A_181 : i32
            %get3A_421 = arith.index_cast %sub3A_420 : i32 to index
            %get3A_422 = arith.constant 0 : index
            %get3A_423 = tpu.vector_load %arg7[%get3A_421, %get3A_422] {strides = array<i32>} : memref<160x128xf32, #tpu.memory_space<vmem>>, vector<1x16xf32>,
            %get3A_424 = vector.shape_cast %get3A_423 : vector<1x16xf32> to vector<16xf32>
            %add3A_425 = arith.addf %while3A_412, %get3A_424 : vector<16xf32>
            %sub3A_426 = arith.subi %while3A_411, %mul3A_181 : i32
            %get3A_427 = arith.index_cast %sub3A_426 : i32 to index
            %get3A_428 = arith.constant 16 : index
            %get3A_429 = tpu.vector_load %arg7[%get3A_427, %get3A_428] {strides = array<i32>} : memref<160x128xf32, #tpu.memory_space<vmem>>, vector<1x16xf32>,
            %get3A_430 = vector.shape_cast %get3A_429 : vector<1x16xf32> to vector<16xf32>
            %add3A_431 = arith.addf %while3A_413, %get3A_430 : vector<16xf32>
            %sub3A_432 = arith.subi %while3A_411, %mul3A_181 : i32
            %get3A_433 = arith.index_cast %sub3A_432 : i32 to index
            %get3A_434 = arith.constant 32 : index
            %get3A_435 = tpu.vector_load %arg7[%get3A_433, %get3A_434] {strides = array<i32>} : memref<160x128xf32, #tpu.memory_space<vmem>>, vector<1x16xf32>,
            %get3A_436 = vector.shape_cast %get3A_435 : vector<1x16xf32> to vector<16xf32>
            %add3A_437 = arith.addf %while3A_414, %get3A_436 : vector<16xf32>
            %sub3A_438 = arith.subi %while3A_411, %mul3A_181 : i32
            %get3A_439 = arith.index_cast %sub3A_438 : i32 to index
            %get3A_440 = arith.constant 48 : index
            %get3A_441 = tpu.vector_load %arg7[%get3A_439, %get3A_440] {strides = array<i32>} : memref<160x128xf32, #tpu.memory_space<vmem>>, vector<1x16xf32>,
            %get3A_442 = vector.shape_cast %get3A_441 : vector<1x16xf32> to vector<16xf32>
            %add3A_443 = arith.addf %while3A_415, %get3A_442 : vector<16xf32>
            %sub3A_444 = arith.subi %while3A_411, %mul3A_181 : i32
            %get3A_445 = arith.index_cast %sub3A_444 : i32 to index
            %get3A_446 = arith.constant 64 : index
            %get3A_447 = tpu.vector_load %arg7[%get3A_445, %get3A_446] {strides = array<i32>} : memref<160x128xf32, #tpu.memory_space<vmem>>, vector<1x16xf32>,
            %get3A_448 = vector.shape_cast %get3A_447 : vector<1x16xf32> to vector<16xf32>
            %add3A_449 = arith.addf %while3A_416, %get3A_448 : vector<16xf32>
            %sub3A_450 = arith.subi %while3A_411, %mul3A_181 : i32
            %get3A_451 = arith.index_cast %sub3A_450 : i32 to index
            %get3A_452 = arith.constant 80 : index
            %get3A_453 = tpu.vector_load %arg7[%get3A_451, %get3A_452] {strides = array<i32>} : memref<160x128xf32, #tpu.memory_space<vmem>>, vector<1x16xf32>,
            %get3A_454 = vector.shape_cast %get3A_453 : vector<1x16xf32> to vector<16xf32>
            %add3A_455 = arith.addf %while3A_417, %get3A_454 : vector<16xf32>
            %sub3A_456 = arith.subi %while3A_411, %mul3A_181 : i32
            %get3A_457 = arith.index_cast %sub3A_456 : i32 to index
            %get3A_458 = arith.constant 96 : index
            %get3A_459 = tpu.vector_load %arg7[%get3A_457, %get3A_458] {strides = array<i32>} : memref<160x128xf32, #tpu.memory_space<vmem>>, vector<1x16xf32>,
            %get3A_460 = vector.shape_cast %get3A_459 : vector<1x16xf32> to vector<16xf32>
            %add3A_461 = arith.addf %while3A_418, %get3A_460 : vector<16xf32>
            %sub3A_462 = arith.subi %while3A_411, %mul3A_181 : i32
            %get3A_463 = arith.index_cast %sub3A_462 : i32 to index
            %get3A_464 = arith.constant 112 : index
            %get3A_465 = tpu.vector_load %arg7[%get3A_463, %get3A_464] {strides = array<i32>} : memref<160x128xf32, #tpu.memory_space<vmem>>, vector<1x16xf32>,
            %get3A_466 = vector.shape_cast %get3A_465 : vector<1x16xf32> to vector<16xf32>
            %add3A_467 = arith.addf %while3A_419, %get3A_466 : vector<16xf32>
            scf.yield %add3A_425, %add3A_431, %add3A_437, %add3A_443, %add3A_449, %add3A_455, %add3A_461, %add3A_467 : vector<16xf32>, vector<16xf32>, vector<16xf32>, vector<16xf32>, vector<16xf32>, vector<16xf32>, vector<16xf32>, vector<16xf32>
          }
          %get3A_331 = arith.index_cast %while3A_307 : i32 to index
          %get3A_332 = arith.constant 0 : index
          %get3A_333 = tpu.vector_load %arg12[%get3A_331, %get3A_332] {strides = array<i32>} : memref<64x128xf32, #tpu.memory_space<vmem>>, vector<1x16xf32>,
          %get3A_334 = vector.shape_cast %get3A_333 : vector<1x16xf32> to vector<16xf32>
          %add3A_335 = arith.addf %get3A_334, %while3A_330#0 : vector<16xf32>
          %swap3A_336 = arith.index_cast %while3A_307 : i32 to index
          %swap3A_337 = arith.constant 0 : index
          %swap3A_338 = tpu.vector_load %arg12[%swap3A_336, %swap3A_337] {strides = array<i32>} : memref<64x128xf32, #tpu.memory_space<vmem>>, vector<1x16xf32>,
          %swap3A_339 = vector.shape_cast %swap3A_338 : vector<1x16xf32> to vector<16xf32>
          %swap3A_340 = vector.shape_cast %add3A_335 : vector<16xf32> to vector<1x16xf32>
          tpu.vector_store %arg12[%swap3A_336, %swap3A_337], %swap3A_340 {strides = array<i32>} : memref<64x128xf32, #tpu.memory_space<vmem>>, vector<1x16xf32>,
          %get3A_341 = arith.index_cast %while3A_307 : i32 to index
          %get3A_342 = arith.constant 16 : index
          %get3A_343 = tpu.vector_load %arg12[%get3A_341, %get3A_342] {strides = array<i32>} : memref<64x128xf32, #tpu.memory_space<vmem>>, vector<1x16xf32>,
          %get3A_344 = vector.shape_cast %get3A_343 : vector<1x16xf32> to vector<16xf32>
          %add3A_345 = arith.addf %get3A_344, %while3A_330#1 : vector<16xf32>
          %swap3A_346 = arith.index_cast %while3A_307 : i32 to index
          %swap3A_347 = arith.constant 16 : index
          %swap3A_348 = tpu.vector_load %arg12[%swap3A_346, %swap3A_347] {strides = array<i32>} : memref<64x128xf32, #tpu.memory_space<vmem>>, vector<1x16xf32>,
          %swap3A_349 = vector.shape_cast %swap3A_348 : vector<1x16xf32> to vector<16xf32>
          %swap3A_350 = vector.shape_cast %add3A_345 : vector<16xf32> to vector<1x16xf32>
          tpu.vector_store %arg12[%swap3A_346, %swap3A_347], %swap3A_350 {strides = array<i32>} : memref<64x128xf32, #tpu.memory_space<vmem>>, vector<1x16xf32>,
          %get3A_351 = arith.index_cast %while3A_307 : i32 to index
          %get3A_352 = arith.constant 32 : index
          %get3A_353 = tpu.vector_load %arg12[%get3A_351, %get3A_352] {strides = array<i32>} : memref<64x128xf32, #tpu.memory_space<vmem>>, vector<1x16xf32>,
          %get3A_354 = vector.shape_cast %get3A_353 : vector<1x16xf32> to vector<16xf32>
          %add3A_355 = arith.addf %get3A_354, %while3A_330#2 : vector<16xf32>
          %swap3A_356 = arith.index_cast %while3A_307 : i32 to index
          %swap3A_357 = arith.constant 32 : index
          %swap3A_358 = tpu.vector_load %arg12[%swap3A_356, %swap3A_357] {strides = array<i32>} : memref<64x128xf32, #tpu.memory_space<vmem>>, vector<1x16xf32>,
          %swap3A_359 = vector.shape_cast %swap3A_358 : vector<1x16xf32> to vector<16xf32>
          %swap3A_360 = vector.shape_cast %add3A_355 : vector<16xf32> to vector<1x16xf32>
          tpu.vector_store %arg12[%swap3A_356, %swap3A_357], %swap3A_360 {strides = array<i32>} : memref<64x128xf32, #tpu.memory_space<vmem>>, vector<1x16xf32>,
          %get3A_361 = arith.index_cast %while3A_307 : i32 to index
          %get3A_362 = arith.constant 48 : index
          %get3A_363 = tpu.vector_load %arg12[%get3A_361, %get3A_362] {strides = array<i32>} : memref<64x128xf32, #tpu.memory_space<vmem>>, vector<1x16xf32>,
          %get3A_364 = vector.shape_cast %get3A_363 : vector<1x16xf32> to vector<16xf32>
          %add3A_365 = arith.addf %get3A_364, %while3A_330#3 : vector<16xf32>
          %swap3A_366 = arith.index_cast %while3A_307 : i32 to index
          %swap3A_367 = arith.constant 48 : index
          %swap3A_368 = tpu.vector_load %arg12[%swap3A_366, %swap3A_367] {strides = array<i32>} : memref<64x128xf32, #tpu.memory_space<vmem>>, vector<1x16xf32>,
          %swap3A_369 = vector.shape_cast %swap3A_368 : vector<1x16xf32> to vector<16xf32>
          %swap3A_370 = vector.shape_cast %add3A_365 : vector<16xf32> to vector<1x16xf32>
          tpu.vector_store %arg12[%swap3A_366, %swap3A_367], %swap3A_370 {strides = array<i32>} : memref<64x128xf32, #tpu.memory_space<vmem>>, vector<1x16xf32>,
          %get3A_371 = arith.index_cast %while3A_307 : i32 to index
          %get3A_372 = arith.constant 64 : index
          %get3A_373 = tpu.vector_load %arg12[%get3A_371, %get3A_372] {strides = array<i32>} : memref<64x128xf32, #tpu.memory_space<vmem>>, vector<1x16xf32>,
          %get3A_374 = vector.shape_cast %get3A_373 : vector<1x16xf32> to vector<16xf32>
          %add3A_375 = arith.addf %get3A_374, %while3A_330#4 : vector<16xf32>
          %swap3A_376 = arith.index_cast %while3A_307 : i32 to index
          %swap3A_377 = arith.constant 64 : index
          %swap3A_378 = tpu.vector_load %arg12[%swap3A_376, %swap3A_377] {strides = array<i32>} : memref<64x128xf32, #tpu.memory_space<vmem>>, vector<1x16xf32>,
          %swap3A_379 = vector.shape_cast %swap3A_378 : vector<1x16xf32> to vector<16xf32>
          %swap3A_380 = vector.shape_cast %add3A_375 : vector<16xf32> to vector<1x16xf32>
          tpu.vector_store %arg12[%swap3A_376, %swap3A_377], %swap3A_380 {strides = array<i32>} : memref<64x128xf32, #tpu.memory_space<vmem>>, vector<1x16xf32>,
          %get3A_381 = arith.index_cast %while3A_307 : i32 to index
          %get3A_382 = arith.constant 80 : index
          %get3A_383 = tpu.vector_load %arg12[%get3A_381, %get3A_382] {strides = array<i32>} : memref<64x128xf32, #tpu.memory_space<vmem>>, vector<1x16xf32>,
          %get3A_384 = vector.shape_cast %get3A_383 : vector<1x16xf32> to vector<16xf32>
          %add3A_385 = arith.addf %get3A_384, %while3A_330#5 : vector<16xf32>
          %swap3A_386 = arith.index_cast %while3A_307 : i32 to index
          %swap3A_387 = arith.constant 80 : index
          %swap3A_388 = tpu.vector_load %arg12[%swap3A_386, %swap3A_387] {strides = array<i32>} : memref<64x128xf32, #tpu.memory_space<vmem>>, vector<1x16xf32>,
          %swap3A_389 = vector.shape_cast %swap3A_388 : vector<1x16xf32> to vector<16xf32>
          %swap3A_390 = vector.shape_cast %add3A_385 : vector<16xf32> to vector<1x16xf32>
          tpu.vector_store %arg12[%swap3A_386, %swap3A_387], %swap3A_390 {strides = array<i32>} : memref<64x128xf32, #tpu.memory_space<vmem>>, vector<1x16xf32>,
          %get3A_391 = arith.index_cast %while3A_307 : i32 to index
          %get3A_392 = arith.constant 96 : index
          %get3A_393 = tpu.vector_load %arg12[%get3A_391, %get3A_392] {strides = array<i32>} : memref<64x128xf32, #tpu.memory_space<vmem>>, vector<1x16xf32>,
          %get3A_394 = vector.shape_cast %get3A_393 : vector<1x16xf32> to vector<16xf32>
          %add3A_395 = arith.addf %get3A_394, %while3A_330#6 : vector<16xf32>
          %swap3A_396 = arith.index_cast %while3A_307 : i32 to index
          %swap3A_397 = arith.constant 96 : index
          %swap3A_398 = tpu.vector_load %arg12[%swap3A_396, %swap3A_397] {strides = array<i32>} : memref<64x128xf32, #tpu.memory_space<vmem>>, vector<1x16xf32>,
          %swap3A_399 = vector.shape_cast %swap3A_398 : vector<1x16xf32> to vector<16xf32>
          %swap3A_400 = vector.shape_cast %add3A_395 : vector<16xf32> to vector<1x16xf32>
          tpu.vector_store %arg12[%swap3A_396, %swap3A_397], %swap3A_400 {strides = array<i32>} : memref<64x128xf32, #tpu.memory_space<vmem>>, vector<1x16xf32>,
          %get3A_401 = arith.index_cast %while3A_307 : i32 to index
          %get3A_402 = arith.constant 112 : index
          %get3A_403 = tpu.vector_load %arg12[%get3A_401, %get3A_402] {strides = array<i32>} : memref<64x128xf32, #tpu.memory_space<vmem>>, vector<1x16xf32>,
          %get3A_404 = vector.shape_cast %get3A_403 : vector<1x16xf32> to vector<16xf32>
          %add3A_405 = arith.addf %get3A_404, %while3A_330#7 : vector<16xf32>
          %swap3A_406 = arith.index_cast %while3A_307 : i32 to index
          %swap3A_407 = arith.constant 112 : index
          %swap3A_408 = tpu.vector_load %arg12[%swap3A_406, %swap3A_407] {strides = array<i32>} : memref<64x128xf32, #tpu.memory_space<vmem>>, vector<1x16xf32>,
          %swap3A_409 = vector.shape_cast %swap3A_408 : vector<1x16xf32> to vector<16xf32>
          %swap3A_410 = vector.shape_cast %add3A_405 : vector<16xf32> to vector<1x16xf32>
          tpu.vector_store %arg12[%swap3A_406, %swap3A_407], %swap3A_410 {strides = array<i32>} : memref<64x128xf32, #tpu.memory_space<vmem>>, vector<1x16xf32>,
        }
        %get3A_204 = arith.index_cast %sub3A_195 : i32 to index
        %get3A_205 = tpu.vector_load %arg9[%get3A_204] {strides = array<i32>} : memref<80xi32, #tpu.memory_space<vmem>>, vector<16xi32>,
        %get3A_206 = vector.shape_cast %get3A_205 : vector<16xi32> to vector<16xi32>
        %slice3A_207 = vector.extract_strided_slice %get3A_206 {offsets = [0], sizes = [1], strides = [1]} : vector<16xi32> to vector<1xi32>
        %squeeze3A_208 = vector.extract %slice3A_207[0] : i32 from vector<1xi32>
        %max3A = arith.maxsi %squeeze3A_208, %add3A_105 : i32
        %while3A_209 = arith.subi %min3A_184, %max3A : i32
        %while3A_210 = arith.addi %max3A, %while3A_209 : i32
        %while3A_211 = arith.constant 1 : i32
        %while3A_212 = arith.divsi %while3A_209, %while3A_211 : i32
        %while3A_213 = arith.muli %while3A_212, %while3A_211 : i32
        %while3A_214 = arith.addi %max3A, %while3A_213 : i32
        %while3A_215 = arith.constant 1 : i32
        %while3A_216:8 = scf.for %while3A_307 = %max3A to %while3A_214 step %while3A_215 iter_args(%while3A_308 = %broadcast_in_dim3A_74, %while3A_309 = %broadcast_in_dim3A_76, %while3A_310 = %broadcast_in_dim3A_78, %while3A_311 = %broadcast_in_dim3A_80, %while3A_312 = %broadcast_in_dim3A_82, %while3A_313 = %broadcast_in_dim3A_84, %while3A_314 = %broadcast_in_dim3A_86, %while3A_315 = %broadcast_in_dim3A_88) -> (vector<16xf32>, vector<16xf32>, vector<16xf32>, vector<16xf32>, vector<16xf32>, vector<16xf32>, vector<16xf32>, vector<16xf32>)  : i32 {
          %sub3A_316 = arith.subi %while3A_307, %mul3A_181 : i32
          %get3A_317 = arith.index_cast %sub3A_316 : i32 to index
          %get3A_318 = arith.constant 0 : index
          %get3A_319 = tpu.vector_load %arg7[%get3A_317, %get3A_318] {strides = array<i32>} : memref<160x128xf32, #tpu.memory_space<vmem>>, vector<1x16xf32>,
          %get3A_320 = vector.shape_cast %get3A_319 : vector<1x16xf32> to vector<16xf32>
          %add3A_321 = arith.addf %while3A_308, %get3A_320 : vector<16xf32>
          %sub3A_322 = arith.subi %while3A_307, %mul3A_181 : i32
          %get3A_323 = arith.index_cast %sub3A_322 : i32 to index
          %get3A_324 = arith.constant 16 : index
          %get3A_325 = tpu.vector_load %arg7[%get3A_323, %get3A_324] {strides = array<i32>} : memref<160x128xf32, #tpu.memory_space<vmem>>, vector<1x16xf32>,
          %get3A_326 = vector.shape_cast %get3A_325 : vector<1x16xf32> to vector<16xf32>
          %add3A_327 = arith.addf %while3A_309, %get3A_326 : vector<16xf32>
          %sub3A_328 = arith.subi %while3A_307, %mul3A_181 : i32
          %get3A_329 = arith.index_cast %sub3A_328 : i32 to index
          %get3A_330 = arith.constant 32 : index
          %get3A_331 = tpu.vector_load %arg7[%get3A_329, %get3A_330] {strides = array<i32>} : memref<160x128xf32, #tpu.memory_space<vmem>>, vector<1x16xf32>,
          %get3A_332 = vector.shape_cast %get3A_331 : vector<1x16xf32> to vector<16xf32>
          %add3A_333 = arith.addf %while3A_310, %get3A_332 : vector<16xf32>
          %sub3A_334 = arith.subi %while3A_307, %mul3A_181 : i32
          %get3A_335 = arith.index_cast %sub3A_334 : i32 to index
          %get3A_336 = arith.constant 48 : index
          %get3A_337 = tpu.vector_load %arg7[%get3A_335, %get3A_336] {strides = array<i32>} : memref<160x128xf32, #tpu.memory_space<vmem>>, vector<1x16xf32>,
          %get3A_338 = vector.shape_cast %get3A_337 : vector<1x16xf32> to vector<16xf32>
          %add3A_339 = arith.addf %while3A_311, %get3A_338 : vector<16xf32>
          %sub3A_340 = arith.subi %while3A_307, %mul3A_181 : i32
          %get3A_341 = arith.index_cast %sub3A_340 : i32 to index
          %get3A_342 = arith.constant 64 : index
          %get3A_343 = tpu.vector_load %arg7[%get3A_341, %get3A_342] {strides = array<i32>} : memref<160x128xf32, #tpu.memory_space<vmem>>, vector<1x16xf32>,
          %get3A_344 = vector.shape_cast %get3A_343 : vector<1x16xf32> to vector<16xf32>
          %add3A_345 = arith.addf %while3A_312, %get3A_344 : vector<16xf32>
          %sub3A_346 = arith.subi %while3A_307, %mul3A_181 : i32
          %get3A_347 = arith.index_cast %sub3A_346 : i32 to index
          %get3A_348 = arith.constant 80 : index
          %get3A_349 = tpu.vector_load %arg7[%get3A_347, %get3A_348] {strides = array<i32>} : memref<160x128xf32, #tpu.memory_space<vmem>>, vector<1x16xf32>,
          %get3A_350 = vector.shape_cast %get3A_349 : vector<1x16xf32> to vector<16xf32>
          %add3A_351 = arith.addf %while3A_313, %get3A_350 : vector<16xf32>
          %sub3A_352 = arith.subi %while3A_307, %mul3A_181 : i32
          %get3A_353 = arith.index_cast %sub3A_352 : i32 to index
          %get3A_354 = arith.constant 96 : index
          %get3A_355 = tpu.vector_load %arg7[%get3A_353, %get3A_354] {strides = array<i32>} : memref<160x128xf32, #tpu.memory_space<vmem>>, vector<1x16xf32>,
          %get3A_356 = vector.shape_cast %get3A_355 : vector<1x16xf32> to vector<16xf32>
          %add3A_357 = arith.addf %while3A_314, %get3A_356 : vector<16xf32>
          %sub3A_358 = arith.subi %while3A_307, %mul3A_181 : i32
          %get3A_359 = arith.index_cast %sub3A_358 : i32 to index
          %get3A_360 = arith.constant 112 : index
          %get3A_361 = tpu.vector_load %arg7[%get3A_359, %get3A_360] {strides = array<i32>} : memref<160x128xf32, #tpu.memory_space<vmem>>, vector<1x16xf32>,
          %get3A_362 = vector.shape_cast %get3A_361 : vector<1x16xf32> to vector<16xf32>
          %add3A_363 = arith.addf %while3A_315, %get3A_362 : vector<16xf32>
          scf.yield %add3A_321, %add3A_327, %add3A_333, %add3A_339, %add3A_345, %add3A_351, %add3A_357, %add3A_363 : vector<16xf32>, vector<16xf32>, vector<16xf32>, vector<16xf32>, vector<16xf32>, vector<16xf32>, vector<16xf32>, vector<16xf32>
        }
        %while3A_217 = arith.constant 1 : i32
        %while3A_218:8 = scf.for %while3A_307 = %while3A_214 to %while3A_210 step %while3A_217 iter_args(%while3A_308 = %while3A_216#0, %while3A_309 = %while3A_216#1, %while3A_310 = %while3A_216#2, %while3A_311 = %while3A_216#3, %while3A_312 = %while3A_216#4, %while3A_313 = %while3A_216#5, %while3A_314 = %while3A_216#6, %while3A_315 = %while3A_216#7) -> (vector<16xf32>, vector<16xf32>, vector<16xf32>, vector<16xf32>, vector<16xf32>, vector<16xf32>, vector<16xf32>, vector<16xf32>)  : i32 {
          %sub3A_316 = arith.subi %while3A_307, %mul3A_181 : i32
          %get3A_317 = arith.index_cast %sub3A_316 : i32 to index
          %get3A_318 = arith.constant 0 : index
          %get3A_319 = tpu.vector_load %arg7[%get3A_317, %get3A_318] {strides = array<i32>} : memref<160x128xf32, #tpu.memory_space<vmem>>, vector<1x16xf32>,
          %get3A_320 = vector.shape_cast %get3A_319 : vector<1x16xf32> to vector<16xf32>
          %add3A_321 = arith.addf %while3A_308, %get3A_320 : vector<16xf32>
          %sub3A_322 = arith.subi %while3A_307, %mul3A_181 : i32
          %get3A_323 = arith.index_cast %sub3A_322 : i32 to index
          %get3A_324 = arith.constant 16 : index
          %get3A_325 = tpu.vector_load %arg7[%get3A_323, %get3A_324] {strides = array<i32>} : memref<160x128xf32, #tpu.memory_space<vmem>>, vector<1x16xf32>,
          %get3A_326 = vector.shape_cast %get3A_325 : vector<1x16xf32> to vector<16xf32>
          %add3A_327 = arith.addf %while3A_309, %get3A_326 : vector<16xf32>
          %sub3A_328 = arith.subi %while3A_307, %mul3A_181 : i32
          %get3A_329 = arith.index_cast %sub3A_328 : i32 to index
          %get3A_330 = arith.constant 32 : index
          %get3A_331 = tpu.vector_load %arg7[%get3A_329, %get3A_330] {strides = array<i32>} : memref<160x128xf32, #tpu.memory_space<vmem>>, vector<1x16xf32>,
          %get3A_332 = vector.shape_cast %get3A_331 : vector<1x16xf32> to vector<16xf32>
          %add3A_333 = arith.addf %while3A_310, %get3A_332 : vector<16xf32>
          %sub3A_334 = arith.subi %while3A_307, %mul3A_181 : i32
          %get3A_335 = arith.index_cast %sub3A_334 : i32 to index
          %get3A_336 = arith.constant 48 : index
          %get3A_337 = tpu.vector_load %arg7[%get3A_335, %get3A_336] {strides = array<i32>} : memref<160x128xf32, #tpu.memory_space<vmem>>, vector<1x16xf32>,
          %get3A_338 = vector.shape_cast %get3A_337 : vector<1x16xf32> to vector<16xf32>
          %add3A_339 = arith.addf %while3A_311, %get3A_338 : vector<16xf32>
          %sub3A_340 = arith.subi %while3A_307, %mul3A_181 : i32
          %get3A_341 = arith.index_cast %sub3A_340 : i32 to index
          %get3A_342 = arith.constant 64 : index
          %get3A_343 = tpu.vector_load %arg7[%get3A_341, %get3A_342] {strides = array<i32>} : memref<160x128xf32, #tpu.memory_space<vmem>>, vector<1x16xf32>,
          %get3A_344 = vector.shape_cast %get3A_343 : vector<1x16xf32> to vector<16xf32>
          %add3A_345 = arith.addf %while3A_312, %get3A_344 : vector<16xf32>
          %sub3A_346 = arith.subi %while3A_307, %mul3A_181 : i32
          %get3A_347 = arith.index_cast %sub3A_346 : i32 to index
          %get3A_348 = arith.constant 80 : index
          %get3A_349 = tpu.vector_load %arg7[%get3A_347, %get3A_348] {strides = array<i32>} : memref<160x128xf32, #tpu.memory_space<vmem>>, vector<1x16xf32>,
          %get3A_350 = vector.shape_cast %get3A_349 : vector<1x16xf32> to vector<16xf32>
          %add3A_351 = arith.addf %while3A_313, %get3A_350 : vector<16xf32>
          %sub3A_352 = arith.subi %while3A_307, %mul3A_181 : i32
          %get3A_353 = arith.index_cast %sub3A_352 : i32 to index
          %get3A_354 = arith.constant 96 : index
          %get3A_355 = tpu.vector_load %arg7[%get3A_353, %get3A_354] {strides = array<i32>} : memref<160x128xf32, #tpu.memory_space<vmem>>, vector<1x16xf32>,
          %get3A_356 = vector.shape_cast %get3A_355 : vector<1x16xf32> to vector<16xf32>
          %add3A_357 = arith.addf %while3A_314, %get3A_356 : vector<16xf32>
          %sub3A_358 = arith.subi %while3A_307, %mul3A_181 : i32
          %get3A_359 = arith.index_cast %sub3A_358 : i32 to index
          %get3A_360 = arith.constant 112 : index
          %get3A_361 = tpu.vector_load %arg7[%get3A_359, %get3A_360] {strides = array<i32>} : memref<160x128xf32, #tpu.memory_space<vmem>>, vector<1x16xf32>,
          %get3A_362 = vector.shape_cast %get3A_361 : vector<1x16xf32> to vector<16xf32>
          %add3A_363 = arith.addf %while3A_315, %get3A_362 : vector<16xf32>
          scf.yield %add3A_321, %add3A_327, %add3A_333, %add3A_339, %add3A_345, %add3A_351, %add3A_357, %add3A_363 : vector<16xf32>, vector<16xf32>, vector<16xf32>, vector<16xf32>, vector<16xf32>, vector<16xf32>, vector<16xf32>, vector<16xf32>
        }
        %jit3A_219 = arith.constant 0 : i32
        %jit3A_220 = arith.constant 63 : i32
        %max3A_221 = arith.maxsi %jit3A_219, %sub3A_195 : i32
        %min3A_222 = arith.minsi %jit3A_220, %max3A_221 : i32
        %get3A_223 = arith.index_cast %min3A_222 : i32 to index
        %get3A_224 = arith.constant 0 : index
        %get3A_225 = tpu.vector_load %arg12[%get3A_223, %get3A_224] {strides = array<i32>} : memref<64x128xf32, #tpu.memory_space<vmem>>, vector<1x16xf32>,
        %get3A_226 = vector.shape_cast %get3A_225 : vector<1x16xf32> to vector<16xf32>
        %add3A_227 = arith.addf %get3A_226, %while3A_218#0 : vector<16xf32>
        %swap3A = arith.index_cast %min3A_222 : i32 to index
        %swap3A_228 = arith.constant 0 : index
        %swap3A_229 = tpu.vector_load %arg12[%swap3A, %swap3A_228] {strides = array<i32>} : memref<64x128xf32, #tpu.memory_space<vmem>>, vector<1x16xf32>,
        %swap3A_230 = vector.shape_cast %swap3A_229 : vector<1x16xf32> to vector<16xf32>
        %swap3A_231 = vector.shape_cast %add3A_227 : vector<16xf32> to vector<1x16xf32>
        tpu.vector_store %arg12[%swap3A, %swap3A_228], %swap3A_231 {strides = array<i32>} : memref<64x128xf32, #tpu.memory_space<vmem>>, vector<1x16xf32>,
        %get3A_232 = arith.index_cast %min3A_222 : i32 to index
        %get3A_233 = arith.constant 16 : index
        %get3A_234 = tpu.vector_load %arg12[%get3A_232, %get3A_233] {strides = array<i32>} : memref<64x128xf32, #tpu.memory_space<vmem>>, vector<1x16xf32>,
        %get3A_235 = vector.shape_cast %get3A_234 : vector<1x16xf32> to vector<16xf32>
        %add3A_236 = arith.addf %get3A_235, %while3A_218#1 : vector<16xf32>
        %swap3A_237 = arith.index_cast %min3A_222 : i32 to index
        %swap3A_238 = arith.constant 16 : index
        %swap3A_239 = tpu.vector_load %arg12[%swap3A_237, %swap3A_238] {strides = array<i32>} : memref<64x128xf32, #tpu.memory_space<vmem>>, vector<1x16xf32>,
        %swap3A_240 = vector.shape_cast %swap3A_239 : vector<1x16xf32> to vector<16xf32>
        %swap3A_241 = vector.shape_cast %add3A_236 : vector<16xf32> to vector<1x16xf32>
        tpu.vector_store %arg12[%swap3A_237, %swap3A_238], %swap3A_241 {strides = array<i32>} : memref<64x128xf32, #tpu.memory_space<vmem>>, vector<1x16xf32>,
        %get3A_242 = arith.index_cast %min3A_222 : i32 to index
        %get3A_243 = arith.constant 32 : index
        %get3A_244 = tpu.vector_load %arg12[%get3A_242, %get3A_243] {strides = array<i32>} : memref<64x128xf32, #tpu.memory_space<vmem>>, vector<1x16xf32>,
        %get3A_245 = vector.shape_cast %get3A_244 : vector<1x16xf32> to vector<16xf32>
        %add3A_246 = arith.addf %get3A_245, %while3A_218#2 : vector<16xf32>
        %swap3A_247 = arith.index_cast %min3A_222 : i32 to index
        %swap3A_248 = arith.constant 32 : index
        %swap3A_249 = tpu.vector_load %arg12[%swap3A_247, %swap3A_248] {strides = array<i32>} : memref<64x128xf32, #tpu.memory_space<vmem>>, vector<1x16xf32>,
        %swap3A_250 = vector.shape_cast %swap3A_249 : vector<1x16xf32> to vector<16xf32>
        %swap3A_251 = vector.shape_cast %add3A_246 : vector<16xf32> to vector<1x16xf32>
        tpu.vector_store %arg12[%swap3A_247, %swap3A_248], %swap3A_251 {strides = array<i32>} : memref<64x128xf32, #tpu.memory_space<vmem>>, vector<1x16xf32>,
        %get3A_252 = arith.index_cast %min3A_222 : i32 to index
        %get3A_253 = arith.constant 48 : index
        %get3A_254 = tpu.vector_load %arg12[%get3A_252, %get3A_253] {strides = array<i32>} : memref<64x128xf32, #tpu.memory_space<vmem>>, vector<1x16xf32>,
        %get3A_255 = vector.shape_cast %get3A_254 : vector<1x16xf32> to vector<16xf32>
        %add3A_256 = arith.addf %get3A_255, %while3A_218#3 : vector<16xf32>
        %swap3A_257 = arith.index_cast %min3A_222 : i32 to index
        %swap3A_258 = arith.constant 48 : index
        %swap3A_259 = tpu.vector_load %arg12[%swap3A_257, %swap3A_258] {strides = array<i32>} : memref<64x128xf32, #tpu.memory_space<vmem>>, vector<1x16xf32>,
        %swap3A_260 = vector.shape_cast %swap3A_259 : vector<1x16xf32> to vector<16xf32>
        %swap3A_261 = vector.shape_cast %add3A_256 : vector<16xf32> to vector<1x16xf32>
        tpu.vector_store %arg12[%swap3A_257, %swap3A_258], %swap3A_261 {strides = array<i32>} : memref<64x128xf32, #tpu.memory_space<vmem>>, vector<1x16xf32>,
        %get3A_262 = arith.index_cast %min3A_222 : i32 to index
        %get3A_263 = arith.constant 64 : index
        %get3A_264 = tpu.vector_load %arg12[%get3A_262, %get3A_263] {strides = array<i32>} : memref<64x128xf32, #tpu.memory_space<vmem>>, vector<1x16xf32>,
        %get3A_265 = vector.shape_cast %get3A_264 : vector<1x16xf32> to vector<16xf32>
        %add3A_266 = arith.addf %get3A_265, %while3A_218#4 : vector<16xf32>
        %swap3A_267 = arith.index_cast %min3A_222 : i32 to index
        %swap3A_268 = arith.constant 64 : index
        %swap3A_269 = tpu.vector_load %arg12[%swap3A_267, %swap3A_268] {strides = array<i32>} : memref<64x128xf32, #tpu.memory_space<vmem>>, vector<1x16xf32>,
        %swap3A_270 = vector.shape_cast %swap3A_269 : vector<1x16xf32> to vector<16xf32>
        %swap3A_271 = vector.shape_cast %add3A_266 : vector<16xf32> to vector<1x16xf32>
        tpu.vector_store %arg12[%swap3A_267, %swap3A_268], %swap3A_271 {strides = array<i32>} : memref<64x128xf32, #tpu.memory_space<vmem>>, vector<1x16xf32>,
        %get3A_272 = arith.index_cast %min3A_222 : i32 to index
        %get3A_273 = arith.constant 80 : index
        %get3A_274 = tpu.vector_load %arg12[%get3A_272, %get3A_273] {strides = array<i32>} : memref<64x128xf32, #tpu.memory_space<vmem>>, vector<1x16xf32>,
        %get3A_275 = vector.shape_cast %get3A_274 : vector<1x16xf32> to vector<16xf32>
        %add3A_276 = arith.addf %get3A_275, %while3A_218#5 : vector<16xf32>
        %swap3A_277 = arith.index_cast %min3A_222 : i32 to index
        %swap3A_278 = arith.constant 80 : index
        %swap3A_279 = tpu.vector_load %arg12[%swap3A_277, %swap3A_278] {strides = array<i32>} : memref<64x128xf32, #tpu.memory_space<vmem>>, vector<1x16xf32>,
        %swap3A_280 = vector.shape_cast %swap3A_279 : vector<1x16xf32> to vector<16xf32>
        %swap3A_281 = vector.shape_cast %add3A_276 : vector<16xf32> to vector<1x16xf32>
        tpu.vector_store %arg12[%swap3A_277, %swap3A_278], %swap3A_281 {strides = array<i32>} : memref<64x128xf32, #tpu.memory_space<vmem>>, vector<1x16xf32>,
        %get3A_282 = arith.index_cast %min3A_222 : i32 to index
        %get3A_283 = arith.constant 96 : index
        %get3A_284 = tpu.vector_load %arg12[%get3A_282, %get3A_283] {strides = array<i32>} : memref<64x128xf32, #tpu.memory_space<vmem>>, vector<1x16xf32>,
        %get3A_285 = vector.shape_cast %get3A_284 : vector<1x16xf32> to vector<16xf32>
        %add3A_286 = arith.addf %get3A_285, %while3A_218#6 : vector<16xf32>
        %swap3A_287 = arith.index_cast %min3A_222 : i32 to index
        %swap3A_288 = arith.constant 96 : index
        %swap3A_289 = tpu.vector_load %arg12[%swap3A_287, %swap3A_288] {strides = array<i32>} : memref<64x128xf32, #tpu.memory_space<vmem>>, vector<1x16xf32>,
        %swap3A_290 = vector.shape_cast %swap3A_289 : vector<1x16xf32> to vector<16xf32>
        %swap3A_291 = vector.shape_cast %add3A_286 : vector<16xf32> to vector<1x16xf32>
        tpu.vector_store %arg12[%swap3A_287, %swap3A_288], %swap3A_291 {strides = array<i32>} : memref<64x128xf32, #tpu.memory_space<vmem>>, vector<1x16xf32>,
        %get3A_292 = arith.index_cast %min3A_222 : i32 to index
        %get3A_293 = arith.constant 112 : index
        %get3A_294 = tpu.vector_load %arg12[%get3A_292, %get3A_293] {strides = array<i32>} : memref<64x128xf32, #tpu.memory_space<vmem>>, vector<1x16xf32>,
        %get3A_295 = vector.shape_cast %get3A_294 : vector<1x16xf32> to vector<16xf32>
        %add3A_296 = arith.addf %get3A_295, %while3A_218#7 : vector<16xf32>
        %swap3A_297 = arith.index_cast %min3A_222 : i32 to index
        %swap3A_298 = arith.constant 112 : index
        %swap3A_299 = tpu.vector_load %arg12[%swap3A_297, %swap3A_298] {strides = array<i32>} : memref<64x128xf32, #tpu.memory_space<vmem>>, vector<1x16xf32>,
        %swap3A_300 = vector.shape_cast %swap3A_299 : vector<1x16xf32> to vector<16xf32>
        %swap3A_301 = vector.shape_cast %add3A_296 : vector<16xf32> to vector<1x16xf32>
        tpu.vector_store %arg12[%swap3A_297, %swap3A_298], %swap3A_301 {strides = array<i32>} : memref<64x128xf32, #tpu.memory_space<vmem>>, vector<1x16xf32>,
        %lt3A_302 = arith.cmpi slt, %add3A_107, %squeeze3A_47 : i32
        %convert_element_type3A_303 = arith.extui %lt3A_302 : i1 to i32
        %cond3A_304 = arith.constant 0 : i32
        %cond3A_305 = arith.cmpi ne, %convert_element_type3A_303, %cond3A_304 : i32
        %cond3A_306 = scf.if %cond3A_305 -> (i32) {
          %lt3A_307 = arith.cmpi slt, %add3A_109, %squeeze3A_47 : i32
          %convert_element_type3A_308 = arith.extui %lt3A_307 : i1 to i32
          %cond3A_309 = arith.constant 0 : i32
          %cond3A_310 = arith.cmpi ne, %convert_element_type3A_308, %cond3A_309 : i32
          scf.if %cond3A_310 {
            %min3A_498 = arith.constant 9840 : i32
            %min3A_499 = arith.minsi %add3A_109, %min3A_498 : i32
            %jit3A_500 = arith.constant 8 : i32
            %div3A_501 = arith.divsi %min3A_499, %jit3A_500 : i32
            %sign3A_502 = arith.constant 0 : i32
            %sign3A_503 = arith.cmpi sgt, %min3A_499, %sign3A_502 : i32
            %sign3A_504 = arith.extui %sign3A_503 : i1 to i32
            %sign3A_505 = arith.constant 0 : i32
            %sign3A_506 = arith.cmpi slt, %min3A_499, %sign3A_505 : i32
            %sign3A_507 = arith.extui %sign3A_506 : i1 to i32
            %sign3A_508 = arith.subi %sign3A_504, %sign3A_507 : i32
            %sign3A_509 = arith.constant 0 : i32
            %sign3A_510 = arith.cmpi sgt, %jit3A_500, %sign3A_509 : i32
            %sign3A_511 = arith.extui %sign3A_510 : i1 to i32
            %sign3A_512 = arith.constant 0 : i32
            %sign3A_513 = arith.cmpi slt, %jit3A_500, %sign3A_512 : i32
            %sign3A_514 = arith.extui %sign3A_513 : i1 to i32
            %sign3A_515 = arith.subi %sign3A_511, %sign3A_514 : i32
            %ne3A_516 = arith.cmpi ne, %sign3A_508, %sign3A_515 : i32
            %rem3A_517 = arith.remsi %min3A_499, %jit3A_500 : i32
            %ne3A_518 = arith.constant 0 : i32
            %ne3A_519 = arith.cmpi ne, %rem3A_517, %ne3A_518 : i32
            %and3A_520 = arith.andi %ne3A_516, %ne3A_519 : i1
            %sub3A_521 = arith.constant 1 : i32
            %sub3A_522 = arith.subi %div3A_501, %sub3A_521 : i32
            %select_n3A_523 = arith.select %and3A_520, %sub3A_522, %div3A_501 : i32
            %mul3A_524 = arith.constant 8 : i32
            %mul3A_525 = arith.muli %select_n3A_523, %mul3A_524 : i32
            %dma_start3A_526 = tpu.memref_slice %arg2[%mul3A_525, %mul3A_32] : memref<10000x512xf32, #tpu.memory_space<hbm>> -> memref<160x128xf32, #tpu.memory_space<hbm>>
            %dma_start3A_527 = tpu.memref_slice %arg2[%mul3A_525, %mul3A_32] : memref<10000x512xf32, #tpu.memory_space<hbm>> -> memref<160x128xf32, #tpu.memory_space<hbm>>
            tpu.enqueue_dma source(%dma_start3A_527 : memref<160x128xf32, #tpu.memory_space<hbm>>) target(%arg7 : memref<160x128xf32, #tpu.memory_space<vmem>>) target_semaphore(%arg13 : memref<!tpu.dma_semaphore, #tpu.memory_space<semaphore_mem>>)
            %dma_start3A_528 = arith.constant 0 : i32
            %dma_start3A_529 = tpu.memref_slice %arg10[%dma_start3A_528] : memref<176xi32, #tpu.memory_space<vmem>> -> memref<160xi32, #tpu.memory_space<vmem>>
            %dma_start3A_530 = tpu.memref_slice %arg5[%mul3A_525] : memref<10000xi32, #tpu.memory_space<hbm>> -> memref<160xi32, #tpu.memory_space<hbm>>
            %dma_start3A_531 = arith.constant 0 : i32
            %dma_start3A_532 = tpu.memref_slice %arg10[%dma_start3A_531] : memref<176xi32, #tpu.memory_space<vmem>> -> memref<160xi32, #tpu.memory_space<vmem>>
            %dma_start3A_533 = tpu.memref_slice %arg5[%mul3A_525] : memref<10000xi32, #tpu.memory_space<hbm>> -> memref<160xi32, #tpu.memory_space<hbm>>
            tpu.enqueue_dma source(%dma_start3A_533 : memref<160xi32, #tpu.memory_space<hbm>>) target(%dma_start3A_532 : memref<160xi32, #tpu.memory_space<vmem>>) target_semaphore(%arg15 : memref<!tpu.dma_semaphore, #tpu.memory_space<semaphore_mem>>)
          } else {
          }
          %min3A_311 = arith.constant 9840 : i32
          %min3A_312 = arith.minsi %add3A_107, %min3A_311 : i32
          %jit3A_313 = arith.constant 8 : i32
          %div3A_314 = arith.divsi %min3A_312, %jit3A_313 : i32
          %sign3A_315 = arith.constant 0 : i32
          %sign3A_316 = arith.cmpi sgt, %min3A_312, %sign3A_315 : i32
          %sign3A_317 = arith.extui %sign3A_316 : i1 to i32
          %sign3A_318 = arith.constant 0 : i32
          %sign3A_319 = arith.cmpi slt, %min3A_312, %sign3A_318 : i32
          %sign3A_320 = arith.extui %sign3A_319 : i1 to i32
          %sign3A_321 = arith.subi %sign3A_317, %sign3A_320 : i32
          %sign3A_322 = arith.constant 0 : i32
          %sign3A_323 = arith.cmpi sgt, %jit3A_313, %sign3A_322 : i32
          %sign3A_324 = arith.extui %sign3A_323 : i1 to i32
          %sign3A_325 = arith.constant 0 : i32
          %sign3A_326 = arith.cmpi slt, %jit3A_313, %sign3A_325 : i32
          %sign3A_327 = arith.extui %sign3A_326 : i1 to i32
          %sign3A_328 = arith.subi %sign3A_324, %sign3A_327 : i32
          %ne3A_329 = arith.cmpi ne, %sign3A_321, %sign3A_328 : i32
          %rem3A_330 = arith.remsi %min3A_312, %jit3A_313 : i32
          %ne3A_331 = arith.constant 0 : i32
          %ne3A_332 = arith.cmpi ne, %rem3A_330, %ne3A_331 : i32
          %and3A_333 = arith.andi %ne3A_329, %ne3A_332 : i1
          %sub3A_334 = arith.constant 1 : i32
          %sub3A_335 = arith.subi %div3A_314, %sub3A_334 : i32
          %select_n3A_336 = arith.select %and3A_333, %sub3A_335, %div3A_314 : i32
          %mul3A_337 = arith.constant 8 : i32
          %mul3A_338 = arith.muli %select_n3A_336, %mul3A_337 : i32
          %dma_wait3A_339 = tpu.memref_slice %arg2[%mul3A_338, %mul3A_32] : memref<10000x512xf32, #tpu.memory_space<hbm>> -> memref<160x128xf32, #tpu.memory_space<hbm>>
          %dma_wait3A_340 = tpu.memref_slice %arg2[%mul3A_338, %mul3A_32] : memref<10000x512xf32, #tpu.memory_space<hbm>> -> memref<160x128xf32, #tpu.memory_space<hbm>>
          tpu.wait_dma2 semaphore(%arg14 : memref<!tpu.dma_semaphore, #tpu.memory_space<semaphore_mem>>) src(%dma_wait3A_340 : memref<160x128xf32, #tpu.memory_space<hbm>>) dst(%arg8 : memref<160x128xf32, #tpu.memory_space<vmem>>)
          %dma_wait3A_341 = arith.constant 0 : i32
          %dma_wait3A_342 = tpu.memref_slice %arg11[%dma_wait3A_341] : memref<176xi32, #tpu.memory_space<vmem>> -> memref<160xi32, #tpu.memory_space<vmem>>
          %dma_wait3A_343 = tpu.memref_slice %arg5[%mul3A_338] : memref<10000xi32, #tpu.memory_space<hbm>> -> memref<160xi32, #tpu.memory_space<hbm>>
          %dma_wait3A_344 = arith.constant 0 : i32
          %dma_wait3A_345 = tpu.memref_slice %arg11[%dma_wait3A_344] : memref<176xi32, #tpu.memory_space<vmem>> -> memref<160xi32, #tpu.memory_space<vmem>>
          %dma_wait3A_346 = tpu.memref_slice %arg5[%mul3A_338] : memref<10000xi32, #tpu.memory_space<hbm>> -> memref<160xi32, #tpu.memory_space<hbm>>
          tpu.wait_dma2 semaphore(%arg16 : memref<!tpu.dma_semaphore, #tpu.memory_space<semaphore_mem>>) src(%dma_wait3A_346 : memref<160xi32, #tpu.memory_space<hbm>>) dst(%dma_wait3A_345 : memref<160xi32, #tpu.memory_space<vmem>>)
          %min3A_347 = arith.constant 9840 : i32
          %min3A_348 = arith.minsi %add3A_107, %min3A_347 : i32
          %jit3A_349 = arith.constant 8 : i32
          %div3A_350 = arith.divsi %min3A_348, %jit3A_349 : i32
          %sign3A_351 = arith.constant 0 : i32
          %sign3A_352 = arith.cmpi sgt, %min3A_348, %sign3A_351 : i32
          %sign3A_353 = arith.extui %sign3A_352 : i1 to i32
          %sign3A_354 = arith.constant 0 : i32
          %sign3A_355 = arith.cmpi slt, %min3A_348, %sign3A_354 : i32
          %sign3A_356 = arith.extui %sign3A_355 : i1 to i32
          %sign3A_357 = arith.subi %sign3A_353, %sign3A_356 : i32
          %sign3A_358 = arith.constant 0 : i32
          %sign3A_359 = arith.cmpi sgt, %jit3A_349, %sign3A_358 : i32
          %sign3A_360 = arith.extui %sign3A_359 : i1 to i32
          %sign3A_361 = arith.constant 0 : i32
          %sign3A_362 = arith.cmpi slt, %jit3A_349, %sign3A_361 : i32
          %sign3A_363 = arith.extui %sign3A_362 : i1 to i32
          %sign3A_364 = arith.subi %sign3A_360, %sign3A_363 : i32
          %ne3A_365 = arith.cmpi ne, %sign3A_357, %sign3A_364 : i32
          %rem3A_366 = arith.remsi %min3A_348, %jit3A_349 : i32
          %ne3A_367 = arith.constant 0 : i32
          %ne3A_368 = arith.cmpi ne, %rem3A_366, %ne3A_367 : i32
          %and3A_369 = arith.andi %ne3A_365, %ne3A_368 : i1
          %sub3A_370 = arith.constant 1 : i32
          %sub3A_371 = arith.subi %div3A_350, %sub3A_370 : i32
          %select_n3A_372 = arith.select %and3A_369, %sub3A_371, %div3A_350 : i32
          %mul3A_373 = arith.constant 8 : i32
          %mul3A_374 = arith.muli %select_n3A_372, %mul3A_373 : i32
          %add3A_375 = arith.constant 160 : i32
          %add3A_376 = arith.addi %add3A_107, %add3A_375 : i32
          %min3A_377 = arith.minsi %add3A_376, %squeeze3A_47 : i32
          %sub3A_378 = arith.constant 1 : i32
          %sub3A_379 = arith.subi %min3A_377, %sub3A_378 : i32
          %sub3A_380 = arith.subi %sub3A_379, %mul3A_374 : i32
          %get3A_381 = arith.index_cast %sub3A_380 : i32 to index
          %get3A_382 = tpu.vector_load %arg11[%get3A_381] {strides = array<i32>} : memref<176xi32, #tpu.memory_space<vmem>>, vector<16xi32>,
          %get3A_383 = vector.shape_cast %get3A_382 : vector<16xi32> to vector<16xi32>
          %slice3A_384 = vector.extract_strided_slice %get3A_383 {offsets = [0], sizes = [1], strides = [1]} : vector<16xi32> to vector<1xi32>
          %squeeze3A_385 = vector.extract %slice3A_384[0] : i32 from vector<1xi32>
          %mul3A_386 = arith.constant 64 : i32
          %mul3A_387 = arith.muli %select_n3A, %mul3A_386 : i32
          %sub3A_388 = arith.subi %squeeze3A_385, %mul3A_387 : i32
          %while3A_389 = arith.constant 0 : i32
          %while3A_390 = arith.subi %sub3A_388, %sub3A_195 : i32
          %while3A_391 = arith.addi %sub3A_195, %while3A_390 : i32
          %while3A_392 = arith.constant 1 : i32
          %while3A_393 = arith.divsi %while3A_390, %while3A_392 : i32
          %while3A_394 = arith.muli %while3A_393, %while3A_392 : i32
          %while3A_395 = arith.addi %sub3A_195, %while3A_394 : i32
          %while3A_396 = arith.constant 1 : i32
          scf.for %while3A_498 = %sub3A_195 to %while3A_395 step %while3A_396  : i32 {
            %get3A_499 = arith.index_cast %while3A_498 : i32 to index
            %get3A_500 = tpu.vector_load %arg9[%get3A_499] {strides = array<i32>} : memref<80xi32, #tpu.memory_space<vmem>>, vector<16xi32>,
            %get3A_501 = vector.shape_cast %get3A_500 : vector<16xi32> to vector<16xi32>
            %slice3A_502 = vector.extract_strided_slice %get3A_501 {offsets = [0], sizes = [1], strides = [1]} : vector<16xi32> to vector<1xi32>
            %squeeze3A_503 = vector.extract %slice3A_502[0] : i32 from vector<1xi32>
            %max3A_504 = arith.maxsi %squeeze3A_503, %add3A_107 : i32
            %add3A_505 = arith.constant 1 : i32
            %add3A_506 = arith.addi %while3A_498, %add3A_505 : i32
            %get3A_507 = arith.index_cast %add3A_506 : i32 to index
            %get3A_508 = tpu.vector_load %arg9[%get3A_507] {strides = array<i32>} : memref<80xi32, #tpu.memory_space<vmem>>, vector<16xi32>,
            %get3A_509 = vector.shape_cast %get3A_508 : vector<16xi32> to vector<16xi32>
            %slice3A_510 = vector.extract_strided_slice %get3A_509 {offsets = [0], sizes = [1], strides = [1]} : vector<16xi32> to vector<1xi32>
            %squeeze3A_511 = vector.extract %slice3A_510[0] : i32 from vector<1xi32>
            %while3A_512 = arith.subi %squeeze3A_511, %max3A_504 : i32
            %while3A_513 = arith.addi %max3A_504, %while3A_512 : i32
            %while3A_514 = arith.constant 1 : i32
            %while3A_515 = arith.divsi %while3A_512, %while3A_514 : i32
            %while3A_516 = arith.muli %while3A_515, %while3A_514 : i32
            %while3A_517 = arith.addi %max3A_504, %while3A_516 : i32
            %while3A_518 = arith.constant 1 : i32
            %while3A_519:8 = scf.for %while3A_602 = %max3A_504 to %while3A_517 step %while3A_518 iter_args(%while3A_603 = %broadcast_in_dim3A_74, %while3A_604 = %broadcast_in_dim3A_76, %while3A_605 = %broadcast_in_dim3A_78, %while3A_606 = %broadcast_in_dim3A_80, %while3A_607 = %broadcast_in_dim3A_82, %while3A_608 = %broadcast_in_dim3A_84, %while3A_609 = %broadcast_in_dim3A_86, %while3A_610 = %broadcast_in_dim3A_88) -> (vector<16xf32>, vector<16xf32>, vector<16xf32>, vector<16xf32>, vector<16xf32>, vector<16xf32>, vector<16xf32>, vector<16xf32>)  : i32 {
              %sub3A_611 = arith.subi %while3A_602, %mul3A_374 : i32
              %get3A_612 = arith.index_cast %sub3A_611 : i32 to index
              %get3A_613 = arith.constant 0 : index
              %get3A_614 = tpu.vector_load %arg8[%get3A_612, %get3A_613] {strides = array<i32>} : memref<160x128xf32, #tpu.memory_space<vmem>>, vector<1x16xf32>,
              %get3A_615 = vector.shape_cast %get3A_614 : vector<1x16xf32> to vector<16xf32>
              %add3A_616 = arith.addf %while3A_603, %get3A_615 : vector<16xf32>
              %sub3A_617 = arith.subi %while3A_602, %mul3A_374 : i32
              %get3A_618 = arith.index_cast %sub3A_617 : i32 to index
              %get3A_619 = arith.constant 16 : index
              %get3A_620 = tpu.vector_load %arg8[%get3A_618, %get3A_619] {strides = array<i32>} : memref<160x128xf32, #tpu.memory_space<vmem>>, vector<1x16xf32>,
              %get3A_621 = vector.shape_cast %get3A_620 : vector<1x16xf32> to vector<16xf32>
              %add3A_622 = arith.addf %while3A_604, %get3A_621 : vector<16xf32>
              %sub3A_623 = arith.subi %while3A_602, %mul3A_374 : i32
              %get3A_624 = arith.index_cast %sub3A_623 : i32 to index
              %get3A_625 = arith.constant 32 : index
              %get3A_626 = tpu.vector_load %arg8[%get3A_624, %get3A_625] {strides = array<i32>} : memref<160x128xf32, #tpu.memory_space<vmem>>, vector<1x16xf32>,
              %get3A_627 = vector.shape_cast %get3A_626 : vector<1x16xf32> to vector<16xf32>
              %add3A_628 = arith.addf %while3A_605, %get3A_627 : vector<16xf32>
              %sub3A_629 = arith.subi %while3A_602, %mul3A_374 : i32
              %get3A_630 = arith.index_cast %sub3A_629 : i32 to index
              %get3A_631 = arith.constant 48 : index
              %get3A_632 = tpu.vector_load %arg8[%get3A_630, %get3A_631] {strides = array<i32>} : memref<160x128xf32, #tpu.memory_space<vmem>>, vector<1x16xf32>,
              %get3A_633 = vector.shape_cast %get3A_632 : vector<1x16xf32> to vector<16xf32>
              %add3A_634 = arith.addf %while3A_606, %get3A_633 : vector<16xf32>
              %sub3A_635 = arith.subi %while3A_602, %mul3A_374 : i32
              %get3A_636 = arith.index_cast %sub3A_635 : i32 to index
              %get3A_637 = arith.constant 64 : index
              %get3A_638 = tpu.vector_load %arg8[%get3A_636, %get3A_637] {strides = array<i32>} : memref<160x128xf32, #tpu.memory_space<vmem>>, vector<1x16xf32>,
              %get3A_639 = vector.shape_cast %get3A_638 : vector<1x16xf32> to vector<16xf32>
              %add3A_640 = arith.addf %while3A_607, %get3A_639 : vector<16xf32>
              %sub3A_641 = arith.subi %while3A_602, %mul3A_374 : i32
              %get3A_642 = arith.index_cast %sub3A_641 : i32 to index
              %get3A_643 = arith.constant 80 : index
              %get3A_644 = tpu.vector_load %arg8[%get3A_642, %get3A_643] {strides = array<i32>} : memref<160x128xf32, #tpu.memory_space<vmem>>, vector<1x16xf32>,
              %get3A_645 = vector.shape_cast %get3A_644 : vector<1x16xf32> to vector<16xf32>
              %add3A_646 = arith.addf %while3A_608, %get3A_645 : vector<16xf32>
              %sub3A_647 = arith.subi %while3A_602, %mul3A_374 : i32
              %get3A_648 = arith.index_cast %sub3A_647 : i32 to index
              %get3A_649 = arith.constant 96 : index
              %get3A_650 = tpu.vector_load %arg8[%get3A_648, %get3A_649] {strides = array<i32>} : memref<160x128xf32, #tpu.memory_space<vmem>>, vector<1x16xf32>,
              %get3A_651 = vector.shape_cast %get3A_650 : vector<1x16xf32> to vector<16xf32>
              %add3A_652 = arith.addf %while3A_609, %get3A_651 : vector<16xf32>
              %sub3A_653 = arith.subi %while3A_602, %mul3A_374 : i32
              %get3A_654 = arith.index_cast %sub3A_653 : i32 to index
              %get3A_655 = arith.constant 112 : index
              %get3A_656 = tpu.vector_load %arg8[%get3A_654, %get3A_655] {strides = array<i32>} : memref<160x128xf32, #tpu.memory_space<vmem>>, vector<1x16xf32>,
              %get3A_657 = vector.shape_cast %get3A_656 : vector<1x16xf32> to vector<16xf32>
              %add3A_658 = arith.addf %while3A_610, %get3A_657 : vector<16xf32>
              scf.yield %add3A_616, %add3A_622, %add3A_628, %add3A_634, %add3A_640, %add3A_646, %add3A_652, %add3A_658 : vector<16xf32>, vector<16xf32>, vector<16xf32>, vector<16xf32>, vector<16xf32>, vector<16xf32>, vector<16xf32>, vector<16xf32>
            }
            %while3A_520 = arith.constant 1 : i32
            %while3A_521:8 = scf.for %while3A_602 = %while3A_517 to %while3A_513 step %while3A_520 iter_args(%while3A_603 = %while3A_519#0, %while3A_604 = %while3A_519#1, %while3A_605 = %while3A_519#2, %while3A_606 = %while3A_519#3, %while3A_607 = %while3A_519#4, %while3A_608 = %while3A_519#5, %while3A_609 = %while3A_519#6, %while3A_610 = %while3A_519#7) -> (vector<16xf32>, vector<16xf32>, vector<16xf32>, vector<16xf32>, vector<16xf32>, vector<16xf32>, vector<16xf32>, vector<16xf32>)  : i32 {
              %sub3A_611 = arith.subi %while3A_602, %mul3A_374 : i32
              %get3A_612 = arith.index_cast %sub3A_611 : i32 to index
              %get3A_613 = arith.constant 0 : index
              %get3A_614 = tpu.vector_load %arg8[%get3A_612, %get3A_613] {strides = array<i32>} : memref<160x128xf32, #tpu.memory_space<vmem>>, vector<1x16xf32>,
              %get3A_615 = vector.shape_cast %get3A_614 : vector<1x16xf32> to vector<16xf32>
              %add3A_616 = arith.addf %while3A_603, %get3A_615 : vector<16xf32>
              %sub3A_617 = arith.subi %while3A_602, %mul3A_374 : i32
              %get3A_618 = arith.index_cast %sub3A_617 : i32 to index
              %get3A_619 = arith.constant 16 : index
              %get3A_620 = tpu.vector_load %arg8[%get3A_618, %get3A_619] {strides = array<i32>} : memref<160x128xf32, #tpu.memory_space<vmem>>, vector<1x16xf32>,
              %get3A_621 = vector.shape_cast %get3A_620 : vector<1x16xf32> to vector<16xf32>
              %add3A_622 = arith.addf %while3A_604, %get3A_621 : vector<16xf32>
              %sub3A_623 = arith.subi %while3A_602, %mul3A_374 : i32
              %get3A_624 = arith.index_cast %sub3A_623 : i32 to index
              %get3A_625 = arith.constant 32 : index
              %get3A_626 = tpu.vector_load %arg8[%get3A_624, %get3A_625] {strides = array<i32>} : memref<160x128xf32, #tpu.memory_space<vmem>>, vector<1x16xf32>,
              %get3A_627 = vector.shape_cast %get3A_626 : vector<1x16xf32> to vector<16xf32>
              %add3A_628 = arith.addf %while3A_605, %get3A_627 : vector<16xf32>
              %sub3A_629 = arith.subi %while3A_602, %mul3A_374 : i32
              %get3A_630 = arith.index_cast %sub3A_629 : i32 to index
              %get3A_631 = arith.constant 48 : index
              %get3A_632 = tpu.vector_load %arg8[%get3A_630, %get3A_631] {strides = array<i32>} : memref<160x128xf32, #tpu.memory_space<vmem>>, vector<1x16xf32>,
              %get3A_633 = vector.shape_cast %get3A_632 : vector<1x16xf32> to vector<16xf32>
              %add3A_634 = arith.addf %while3A_606, %get3A_633 : vector<16xf32>
              %sub3A_635 = arith.subi %while3A_602, %mul3A_374 : i32
              %get3A_636 = arith.index_cast %sub3A_635 : i32 to index
              %get3A_637 = arith.constant 64 : index
              %get3A_638 = tpu.vector_load %arg8[%get3A_636, %get3A_637] {strides = array<i32>} : memref<160x128xf32, #tpu.memory_space<vmem>>, vector<1x16xf32>,
              %get3A_639 = vector.shape_cast %get3A_638 : vector<1x16xf32> to vector<16xf32>
              %add3A_640 = arith.addf %while3A_607, %get3A_639 : vector<16xf32>
              %sub3A_641 = arith.subi %while3A_602, %mul3A_374 : i32
              %get3A_642 = arith.index_cast %sub3A_641 : i32 to index
              %get3A_643 = arith.constant 80 : index
              %get3A_644 = tpu.vector_load %arg8[%get3A_642, %get3A_643] {strides = array<i32>} : memref<160x128xf32, #tpu.memory_space<vmem>>, vector<1x16xf32>,
              %get3A_645 = vector.shape_cast %get3A_644 : vector<1x16xf32> to vector<16xf32>
              %add3A_646 = arith.addf %while3A_608, %get3A_645 : vector<16xf32>
              %sub3A_647 = arith.subi %while3A_602, %mul3A_374 : i32
              %get3A_648 = arith.index_cast %sub3A_647 : i32 to index
              %get3A_649 = arith.constant 96 : index
              %get3A_650 = tpu.vector_load %arg8[%get3A_648, %get3A_649] {strides = array<i32>} : memref<160x128xf32, #tpu.memory_space<vmem>>, vector<1x16xf32>,
              %get3A_651 = vector.shape_cast %get3A_650 : vector<1x16xf32> to vector<16xf32>
              %add3A_652 = arith.addf %while3A_609, %get3A_651 : vector<16xf32>
              %sub3A_653 = arith.subi %while3A_602, %mul3A_374 : i32
              %get3A_654 = arith.index_cast %sub3A_653 : i32 to index
              %get3A_655 = arith.constant 112 : index
              %get3A_656 = tpu.vector_load %arg8[%get3A_654, %get3A_655] {strides = array<i32>} : memref<160x128xf32, #tpu.memory_space<vmem>>, vector<1x16xf32>,
              %get3A_657 = vector.shape_cast %get3A_656 : vector<1x16xf32> to vector<16xf32>
              %add3A_658 = arith.addf %while3A_610, %get3A_657 : vector<16xf32>
              scf.yield %add3A_616, %add3A_622, %add3A_628, %add3A_634, %add3A_640, %add3A_646, %add3A_652, %add3A_658 : vector<16xf32>, vector<16xf32>, vector<16xf32>, vector<16xf32>, vector<16xf32>, vector<16xf32>, vector<16xf32>, vector<16xf32>
            }
            %get3A_522 = arith.index_cast %while3A_498 : i32 to index
            %get3A_523 = arith.constant 0 : index
            %get3A_524 = tpu.vector_load %arg12[%get3A_522, %get3A_523] {strides = array<i32>} : memref<64x128xf32, #tpu.memory_space<vmem>>, vector<1x16xf32>,
            %get3A_525 = vector.shape_cast %get3A_524 : vector<1x16xf32> to vector<16xf32>
            %add3A_526 = arith.addf %get3A_525, %while3A_521#0 : vector<16xf32>
            %swap3A_527 = arith.index_cast %while3A_498 : i32 to index
            %swap3A_528 = arith.constant 0 : index
            %swap3A_529 = tpu.vector_load %arg12[%swap3A_527, %swap3A_528] {strides = array<i32>} : memref<64x128xf32, #tpu.memory_space<vmem>>, vector<1x16xf32>,
            %swap3A_530 = vector.shape_cast %swap3A_529 : vector<1x16xf32> to vector<16xf32>
            %swap3A_531 = vector.shape_cast %add3A_526 : vector<16xf32> to vector<1x16xf32>
            tpu.vector_store %arg12[%swap3A_527, %swap3A_528], %swap3A_531 {strides = array<i32>} : memref<64x128xf32, #tpu.memory_space<vmem>>, vector<1x16xf32>,
            %get3A_532 = arith.index_cast %while3A_498 : i32 to index
            %get3A_533 = arith.constant 16 : index
            %get3A_534 = tpu.vector_load %arg12[%get3A_532, %get3A_533] {strides = array<i32>} : memref<64x128xf32, #tpu.memory_space<vmem>>, vector<1x16xf32>,
            %get3A_535 = vector.shape_cast %get3A_534 : vector<1x16xf32> to vector<16xf32>
            %add3A_536 = arith.addf %get3A_535, %while3A_521#1 : vector<16xf32>
            %swap3A_537 = arith.index_cast %while3A_498 : i32 to index
            %swap3A_538 = arith.constant 16 : index
            %swap3A_539 = tpu.vector_load %arg12[%swap3A_537, %swap3A_538] {strides = array<i32>} : memref<64x128xf32, #tpu.memory_space<vmem>>, vector<1x16xf32>,
            %swap3A_540 = vector.shape_cast %swap3A_539 : vector<1x16xf32> to vector<16xf32>
            %swap3A_541 = vector.shape_cast %add3A_536 : vector<16xf32> to vector<1x16xf32>
            tpu.vector_store %arg12[%swap3A_537, %swap3A_538], %swap3A_541 {strides = array<i32>} : memref<64x128xf32, #tpu.memory_space<vmem>>, vector<1x16xf32>,
            %get3A_542 = arith.index_cast %while3A_498 : i32 to index
            %get3A_543 = arith.constant 32 : index
            %get3A_544 = tpu.vector_load %arg12[%get3A_542, %get3A_543] {strides = array<i32>} : memref<64x128xf32, #tpu.memory_space<vmem>>, vector<1x16xf32>,
            %get3A_545 = vector.shape_cast %get3A_544 : vector<1x16xf32> to vector<16xf32>
            %add3A_546 = arith.addf %get3A_545, %while3A_521#2 : vector<16xf32>
            %swap3A_547 = arith.index_cast %while3A_498 : i32 to index
            %swap3A_548 = arith.constant 32 : index
            %swap3A_549 = tpu.vector_load %arg12[%swap3A_547, %swap3A_548] {strides = array<i32>} : memref<64x128xf32, #tpu.memory_space<vmem>>, vector<1x16xf32>,
            %swap3A_550 = vector.shape_cast %swap3A_549 : vector<1x16xf32> to vector<16xf32>
            %swap3A_551 = vector.shape_cast %add3A_546 : vector<16xf32> to vector<1x16xf32>
            tpu.vector_store %arg12[%swap3A_547, %swap3A_548], %swap3A_551 {strides = array<i32>} : memref<64x128xf32, #tpu.memory_space<vmem>>, vector<1x16xf32>,
            %get3A_552 = arith.index_cast %while3A_498 : i32 to index
            %get3A_553 = arith.constant 48 : index
            %get3A_554 = tpu.vector_load %arg12[%get3A_552, %get3A_553] {strides = array<i32>} : memref<64x128xf32, #tpu.memory_space<vmem>>, vector<1x16xf32>,
            %get3A_555 = vector.shape_cast %get3A_554 : vector<1x16xf32> to vector<16xf32>
            %add3A_556 = arith.addf %get3A_555, %while3A_521#3 : vector<16xf32>
            %swap3A_557 = arith.index_cast %while3A_498 : i32 to index
            %swap3A_558 = arith.constant 48 : index
            %swap3A_559 = tpu.vector_load %arg12[%swap3A_557, %swap3A_558] {strides = array<i32>} : memref<64x128xf32, #tpu.memory_space<vmem>>, vector<1x16xf32>,
            %swap3A_560 = vector.shape_cast %swap3A_559 : vector<1x16xf32> to vector<16xf32>
            %swap3A_561 = vector.shape_cast %add3A_556 : vector<16xf32> to vector<1x16xf32>
            tpu.vector_store %arg12[%swap3A_557, %swap3A_558], %swap3A_561 {strides = array<i32>} : memref<64x128xf32, #tpu.memory_space<vmem>>, vector<1x16xf32>,
            %get3A_562 = arith.index_cast %while3A_498 : i32 to index
            %get3A_563 = arith.constant 64 : index
            %get3A_564 = tpu.vector_load %arg12[%get3A_562, %get3A_563] {strides = array<i32>} : memref<64x128xf32, #tpu.memory_space<vmem>>, vector<1x16xf32>,
            %get3A_565 = vector.shape_cast %get3A_564 : vector<1x16xf32> to vector<16xf32>
            %add3A_566 = arith.addf %get3A_565, %while3A_521#4 : vector<16xf32>
            %swap3A_567 = arith.index_cast %while3A_498 : i32 to index
            %swap3A_568 = arith.constant 64 : index
            %swap3A_569 = tpu.vector_load %arg12[%swap3A_567, %swap3A_568] {strides = array<i32>} : memref<64x128xf32, #tpu.memory_space<vmem>>, vector<1x16xf32>,
            %swap3A_570 = vector.shape_cast %swap3A_569 : vector<1x16xf32> to vector<16xf32>
            %swap3A_571 = vector.shape_cast %add3A_566 : vector<16xf32> to vector<1x16xf32>
            tpu.vector_store %arg12[%swap3A_567, %swap3A_568], %swap3A_571 {strides = array<i32>} : memref<64x128xf32, #tpu.memory_space<vmem>>, vector<1x16xf32>,
            %get3A_572 = arith.index_cast %while3A_498 : i32 to index
            %get3A_573 = arith.constant 80 : index
            %get3A_574 = tpu.vector_load %arg12[%get3A_572, %get3A_573] {strides = array<i32>} : memref<64x128xf32, #tpu.memory_space<vmem>>, vector<1x16xf32>,
            %get3A_575 = vector.shape_cast %get3A_574 : vector<1x16xf32> to vector<16xf32>
            %add3A_576 = arith.addf %get3A_575, %while3A_521#5 : vector<16xf32>
            %swap3A_577 = arith.index_cast %while3A_498 : i32 to index
            %swap3A_578 = arith.constant 80 : index
            %swap3A_579 = tpu.vector_load %arg12[%swap3A_577, %swap3A_578] {strides = array<i32>} : memref<64x128xf32, #tpu.memory_space<vmem>>, vector<1x16xf32>,
            %swap3A_580 = vector.shape_cast %swap3A_579 : vector<1x16xf32> to vector<16xf32>
            %swap3A_581 = vector.shape_cast %add3A_576 : vector<16xf32> to vector<1x16xf32>
            tpu.vector_store %arg12[%swap3A_577, %swap3A_578], %swap3A_581 {strides = array<i32>} : memref<64x128xf32, #tpu.memory_space<vmem>>, vector<1x16xf32>,
            %get3A_582 = arith.index_cast %while3A_498 : i32 to index
            %get3A_583 = arith.constant 96 : index
            %get3A_584 = tpu.vector_load %arg12[%get3A_582, %get3A_583] {strides = array<i32>} : memref<64x128xf32, #tpu.memory_space<vmem>>, vector<1x16xf32>,
            %get3A_585 = vector.shape_cast %get3A_584 : vector<1x16xf32> to vector<16xf32>
            %add3A_586 = arith.addf %get3A_585, %while3A_521#6 : vector<16xf32>
            %swap3A_587 = arith.index_cast %while3A_498 : i32 to index
            %swap3A_588 = arith.constant 96 : index
            %swap3A_589 = tpu.vector_load %arg12[%swap3A_587, %swap3A_588] {strides = array<i32>} : memref<64x128xf32, #tpu.memory_space<vmem>>, vector<1x16xf32>,
            %swap3A_590 = vector.shape_cast %swap3A_589 : vector<1x16xf32> to vector<16xf32>
            %swap3A_591 = vector.shape_cast %add3A_586 : vector<16xf32> to vector<1x16xf32>
            tpu.vector_store %arg12[%swap3A_587, %swap3A_588], %swap3A_591 {strides = array<i32>} : memref<64x128xf32, #tpu.memory_space<vmem>>, vector<1x16xf32>,
            %get3A_592 = arith.index_cast %while3A_498 : i32 to index
            %get3A_593 = arith.constant 112 : index
            %get3A_594 = tpu.vector_load %arg12[%get3A_592, %get3A_593] {strides = array<i32>} : memref<64x128xf32, #tpu.memory_space<vmem>>, vector<1x16xf32>,
            %get3A_595 = vector.shape_cast %get3A_594 : vector<1x16xf32> to vector<16xf32>
            %add3A_596 = arith.addf %get3A_595, %while3A_521#7 : vector<16xf32>
            %swap3A_597 = arith.index_cast %while3A_498 : i32 to index
            %swap3A_598 = arith.constant 112 : index
            %swap3A_599 = tpu.vector_load %arg12[%swap3A_597, %swap3A_598] {strides = array<i32>} : memref<64x128xf32, #tpu.memory_space<vmem>>, vector<1x16xf32>,
            %swap3A_600 = vector.shape_cast %swap3A_599 : vector<1x16xf32> to vector<16xf32>
            %swap3A_601 = vector.shape_cast %add3A_596 : vector<16xf32> to vector<1x16xf32>
            tpu.vector_store %arg12[%swap3A_597, %swap3A_598], %swap3A_601 {strides = array<i32>} : memref<64x128xf32, #tpu.memory_space<vmem>>, vector<1x16xf32>,
          }
          %while3A_397 = arith.constant 1 : i32
          scf.for %while3A_498 = %while3A_395 to %while3A_391 step %while3A_397  : i32 {
            %get3A_499 = arith.index_cast %while3A_498 : i32 to index
            %get3A_500 = tpu.vector_load %arg9[%get3A_499] {strides = array<i32>} : memref<80xi32, #tpu.memory_space<vmem>>, vector<16xi32>,
            %get3A_501 = vector.shape_cast %get3A_500 : vector<16xi32> to vector<16xi32>
            %slice3A_502 = vector.extract_strided_slice %get3A_501 {offsets = [0], sizes = [1], strides = [1]} : vector<16xi32> to vector<1xi32>
            %squeeze3A_503 = vector.extract %slice3A_502[0] : i32 from vector<1xi32>
            %max3A_504 = arith.maxsi %squeeze3A_503, %add3A_107 : i32
            %add3A_505 = arith.constant 1 : i32
            %add3A_506 = arith.addi %while3A_498, %add3A_505 : i32
            %get3A_507 = arith.index_cast %add3A_506 : i32 to index
            %get3A_508 = tpu.vector_load %arg9[%get3A_507] {strides = array<i32>} : memref<80xi32, #tpu.memory_space<vmem>>, vector<16xi32>,
            %get3A_509 = vector.shape_cast %get3A_508 : vector<16xi32> to vector<16xi32>
            %slice3A_510 = vector.extract_strided_slice %get3A_509 {offsets = [0], sizes = [1], strides = [1]} : vector<16xi32> to vector<1xi32>
            %squeeze3A_511 = vector.extract %slice3A_510[0] : i32 from vector<1xi32>
            %while3A_512 = arith.subi %squeeze3A_511, %max3A_504 : i32
            %while3A_513 = arith.addi %max3A_504, %while3A_512 : i32
            %while3A_514 = arith.constant 1 : i32
            %while3A_515 = arith.divsi %while3A_512, %while3A_514 : i32
            %while3A_516 = arith.muli %while3A_515, %while3A_514 : i32
            %while3A_517 = arith.addi %max3A_504, %while3A_516 : i32
            %while3A_518 = arith.constant 1 : i32
            %while3A_519:8 = scf.for %while3A_602 = %max3A_504 to %while3A_517 step %while3A_518 iter_args(%while3A_603 = %broadcast_in_dim3A_74, %while3A_604 = %broadcast_in_dim3A_76, %while3A_605 = %broadcast_in_dim3A_78, %while3A_606 = %broadcast_in_dim3A_80, %while3A_607 = %broadcast_in_dim3A_82, %while3A_608 = %broadcast_in_dim3A_84, %while3A_609 = %broadcast_in_dim3A_86, %while3A_610 = %broadcast_in_dim3A_88) -> (vector<16xf32>, vector<16xf32>, vector<16xf32>, vector<16xf32>, vector<16xf32>, vector<16xf32>, vector<16xf32>, vector<16xf32>)  : i32 {
              %sub3A_611 = arith.subi %while3A_602, %mul3A_374 : i32
              %get3A_612 = arith.index_cast %sub3A_611 : i32 to index
              %get3A_613 = arith.constant 0 : index
              %get3A_614 = tpu.vector_load %arg8[%get3A_612, %get3A_613] {strides = array<i32>} : memref<160x128xf32, #tpu.memory_space<vmem>>, vector<1x16xf32>,
              %get3A_615 = vector.shape_cast %get3A_614 : vector<1x16xf32> to vector<16xf32>
              %add3A_616 = arith.addf %while3A_603, %get3A_615 : vector<16xf32>
              %sub3A_617 = arith.subi %while3A_602, %mul3A_374 : i32
              %get3A_618 = arith.index_cast %sub3A_617 : i32 to index
              %get3A_619 = arith.constant 16 : index
              %get3A_620 = tpu.vector_load %arg8[%get3A_618, %get3A_619] {strides = array<i32>} : memref<160x128xf32, #tpu.memory_space<vmem>>, vector<1x16xf32>,
              %get3A_621 = vector.shape_cast %get3A_620 : vector<1x16xf32> to vector<16xf32>
              %add3A_622 = arith.addf %while3A_604, %get3A_621 : vector<16xf32>
              %sub3A_623 = arith.subi %while3A_602, %mul3A_374 : i32
              %get3A_624 = arith.index_cast %sub3A_623 : i32 to index
              %get3A_625 = arith.constant 32 : index
              %get3A_626 = tpu.vector_load %arg8[%get3A_624, %get3A_625] {strides = array<i32>} : memref<160x128xf32, #tpu.memory_space<vmem>>, vector<1x16xf32>,
              %get3A_627 = vector.shape_cast %get3A_626 : vector<1x16xf32> to vector<16xf32>
              %add3A_628 = arith.addf %while3A_605, %get3A_627 : vector<16xf32>
              %sub3A_629 = arith.subi %while3A_602, %mul3A_374 : i32
              %get3A_630 = arith.index_cast %sub3A_629 : i32 to index
              %get3A_631 = arith.constant 48 : index
              %get3A_632 = tpu.vector_load %arg8[%get3A_630, %get3A_631] {strides = array<i32>} : memref<160x128xf32, #tpu.memory_space<vmem>>, vector<1x16xf32>,
              %get3A_633 = vector.shape_cast %get3A_632 : vector<1x16xf32> to vector<16xf32>
              %add3A_634 = arith.addf %while3A_606, %get3A_633 : vector<16xf32>
              %sub3A_635 = arith.subi %while3A_602, %mul3A_374 : i32
              %get3A_636 = arith.index_cast %sub3A_635 : i32 to index
              %get3A_637 = arith.constant 64 : index
              %get3A_638 = tpu.vector_load %arg8[%get3A_636, %get3A_637] {strides = array<i32>} : memref<160x128xf32, #tpu.memory_space<vmem>>, vector<1x16xf32>,
              %get3A_639 = vector.shape_cast %get3A_638 : vector<1x16xf32> to vector<16xf32>
              %add3A_640 = arith.addf %while3A_607, %get3A_639 : vector<16xf32>
              %sub3A_641 = arith.subi %while3A_602, %mul3A_374 : i32
              %get3A_642 = arith.index_cast %sub3A_641 : i32 to index
              %get3A_643 = arith.constant 80 : index
              %get3A_644 = tpu.vector_load %arg8[%get3A_642, %get3A_643] {strides = array<i32>} : memref<160x128xf32, #tpu.memory_space<vmem>>, vector<1x16xf32>,
              %get3A_645 = vector.shape_cast %get3A_644 : vector<1x16xf32> to vector<16xf32>
              %add3A_646 = arith.addf %while3A_608, %get3A_645 : vector<16xf32>
              %sub3A_647 = arith.subi %while3A_602, %mul3A_374 : i32
              %get3A_648 = arith.index_cast %sub3A_647 : i32 to index
              %get3A_649 = arith.constant 96 : index
              %get3A_650 = tpu.vector_load %arg8[%get3A_648, %get3A_649] {strides = array<i32>} : memref<160x128xf32, #tpu.memory_space<vmem>>, vector<1x16xf32>,
              %get3A_651 = vector.shape_cast %get3A_650 : vector<1x16xf32> to vector<16xf32>
              %add3A_652 = arith.addf %while3A_609, %get3A_651 : vector<16xf32>
              %sub3A_653 = arith.subi %while3A_602, %mul3A_374 : i32
              %get3A_654 = arith.index_cast %sub3A_653 : i32 to index
              %get3A_655 = arith.constant 112 : index
              %get3A_656 = tpu.vector_load %arg8[%get3A_654, %get3A_655] {strides = array<i32>} : memref<160x128xf32, #tpu.memory_space<vmem>>, vector<1x16xf32>,
              %get3A_657 = vector.shape_cast %get3A_656 : vector<1x16xf32> to vector<16xf32>
              %add3A_658 = arith.addf %while3A_610, %get3A_657 : vector<16xf32>
              scf.yield %add3A_616, %add3A_622, %add3A_628, %add3A_634, %add3A_640, %add3A_646, %add3A_652, %add3A_658 : vector<16xf32>, vector<16xf32>, vector<16xf32>, vector<16xf32>, vector<16xf32>, vector<16xf32>, vector<16xf32>, vector<16xf32>
            }
            %while3A_520 = arith.constant 1 : i32
            %while3A_521:8 = scf.for %while3A_602 = %while3A_517 to %while3A_513 step %while3A_520 iter_args(%while3A_603 = %while3A_519#0, %while3A_604 = %while3A_519#1, %while3A_605 = %while3A_519#2, %while3A_606 = %while3A_519#3, %while3A_607 = %while3A_519#4, %while3A_608 = %while3A_519#5, %while3A_609 = %while3A_519#6, %while3A_610 = %while3A_519#7) -> (vector<16xf32>, vector<16xf32>, vector<16xf32>, vector<16xf32>, vector<16xf32>, vector<16xf32>, vector<16xf32>, vector<16xf32>)  : i32 {
              %sub3A_611 = arith.subi %while3A_602, %mul3A_374 : i32
              %get3A_612 = arith.index_cast %sub3A_611 : i32 to index
              %get3A_613 = arith.constant 0 : index
              %get3A_614 = tpu.vector_load %arg8[%get3A_612, %get3A_613] {strides = array<i32>} : memref<160x128xf32, #tpu.memory_space<vmem>>, vector<1x16xf32>,
              %get3A_615 = vector.shape_cast %get3A_614 : vector<1x16xf32> to vector<16xf32>
              %add3A_616 = arith.addf %while3A_603, %get3A_615 : vector<16xf32>
              %sub3A_617 = arith.subi %while3A_602, %mul3A_374 : i32
              %get3A_618 = arith.index_cast %sub3A_617 : i32 to index
              %get3A_619 = arith.constant 16 : index
              %get3A_620 = tpu.vector_load %arg8[%get3A_618, %get3A_619] {strides = array<i32>} : memref<160x128xf32, #tpu.memory_space<vmem>>, vector<1x16xf32>,
              %get3A_621 = vector.shape_cast %get3A_620 : vector<1x16xf32> to vector<16xf32>
              %add3A_622 = arith.addf %while3A_604, %get3A_621 : vector<16xf32>
              %sub3A_623 = arith.subi %while3A_602, %mul3A_374 : i32
              %get3A_624 = arith.index_cast %sub3A_623 : i32 to index
              %get3A_625 = arith.constant 32 : index
              %get3A_626 = tpu.vector_load %arg8[%get3A_624, %get3A_625] {strides = array<i32>} : memref<160x128xf32, #tpu.memory_space<vmem>>, vector<1x16xf32>,
              %get3A_627 = vector.shape_cast %get3A_626 : vector<1x16xf32> to vector<16xf32>
              %add3A_628 = arith.addf %while3A_605, %get3A_627 : vector<16xf32>
              %sub3A_629 = arith.subi %while3A_602, %mul3A_374 : i32
              %get3A_630 = arith.index_cast %sub3A_629 : i32 to index
              %get3A_631 = arith.constant 48 : index
              %get3A_632 = tpu.vector_load %arg8[%get3A_630, %get3A_631] {strides = array<i32>} : memref<160x128xf32, #tpu.memory_space<vmem>>, vector<1x16xf32>,
              %get3A_633 = vector.shape_cast %get3A_632 : vector<1x16xf32> to vector<16xf32>
              %add3A_634 = arith.addf %while3A_606, %get3A_633 : vector<16xf32>
              %sub3A_635 = arith.subi %while3A_602, %mul3A_374 : i32
              %get3A_636 = arith.index_cast %sub3A_635 : i32 to index
              %get3A_637 = arith.constant 64 : index
              %get3A_638 = tpu.vector_load %arg8[%get3A_636, %get3A_637] {strides = array<i32>} : memref<160x128xf32, #tpu.memory_space<vmem>>, vector<1x16xf32>,
              %get3A_639 = vector.shape_cast %get3A_638 : vector<1x16xf32> to vector<16xf32>
              %add3A_640 = arith.addf %while3A_607, %get3A_639 : vector<16xf32>
              %sub3A_641 = arith.subi %while3A_602, %mul3A_374 : i32
              %get3A_642 = arith.index_cast %sub3A_641 : i32 to index
              %get3A_643 = arith.constant 80 : index
              %get3A_644 = tpu.vector_load %arg8[%get3A_642, %get3A_643] {strides = array<i32>} : memref<160x128xf32, #tpu.memory_space<vmem>>, vector<1x16xf32>,
              %get3A_645 = vector.shape_cast %get3A_644 : vector<1x16xf32> to vector<16xf32>
              %add3A_646 = arith.addf %while3A_608, %get3A_645 : vector<16xf32>
              %sub3A_647 = arith.subi %while3A_602, %mul3A_374 : i32
              %get3A_648 = arith.index_cast %sub3A_647 : i32 to index
              %get3A_649 = arith.constant 96 : index
              %get3A_650 = tpu.vector_load %arg8[%get3A_648, %get3A_649] {strides = array<i32>} : memref<160x128xf32, #tpu.memory_space<vmem>>, vector<1x16xf32>,
              %get3A_651 = vector.shape_cast %get3A_650 : vector<1x16xf32> to vector<16xf32>
              %add3A_652 = arith.addf %while3A_609, %get3A_651 : vector<16xf32>
              %sub3A_653 = arith.subi %while3A_602, %mul3A_374 : i32
              %get3A_654 = arith.index_cast %sub3A_653 : i32 to index
              %get3A_655 = arith.constant 112 : index
              %get3A_656 = tpu.vector_load %arg8[%get3A_654, %get3A_655] {strides = array<i32>} : memref<160x128xf32, #tpu.memory_space<vmem>>, vector<1x16xf32>,
              %get3A_657 = vector.shape_cast %get3A_656 : vector<1x16xf32> to vector<16xf32>
              %add3A_658 = arith.addf %while3A_610, %get3A_657 : vector<16xf32>
              scf.yield %add3A_616, %add3A_622, %add3A_628, %add3A_634, %add3A_640, %add3A_646, %add3A_652, %add3A_658 : vector<16xf32>, vector<16xf32>, vector<16xf32>, vector<16xf32>, vector<16xf32>, vector<16xf32>, vector<16xf32>, vector<16xf32>
            }
            %get3A_522 = arith.index_cast %while3A_498 : i32 to index
            %get3A_523 = arith.constant 0 : index
            %get3A_524 = tpu.vector_load %arg12[%get3A_522, %get3A_523] {strides = array<i32>} : memref<64x128xf32, #tpu.memory_space<vmem>>, vector<1x16xf32>,
            %get3A_525 = vector.shape_cast %get3A_524 : vector<1x16xf32> to vector<16xf32>
            %add3A_526 = arith.addf %get3A_525, %while3A_521#0 : vector<16xf32>
            %swap3A_527 = arith.index_cast %while3A_498 : i32 to index
            %swap3A_528 = arith.constant 0 : index
            %swap3A_529 = tpu.vector_load %arg12[%swap3A_527, %swap3A_528] {strides = array<i32>} : memref<64x128xf32, #tpu.memory_space<vmem>>, vector<1x16xf32>,
            %swap3A_530 = vector.shape_cast %swap3A_529 : vector<1x16xf32> to vector<16xf32>
            %swap3A_531 = vector.shape_cast %add3A_526 : vector<16xf32> to vector<1x16xf32>
            tpu.vector_store %arg12[%swap3A_527, %swap3A_528], %swap3A_531 {strides = array<i32>} : memref<64x128xf32, #tpu.memory_space<vmem>>, vector<1x16xf32>,
            %get3A_532 = arith.index_cast %while3A_498 : i32 to index
            %get3A_533 = arith.constant 16 : index
            %get3A_534 = tpu.vector_load %arg12[%get3A_532, %get3A_533] {strides = array<i32>} : memref<64x128xf32, #tpu.memory_space<vmem>>, vector<1x16xf32>,
            %get3A_535 = vector.shape_cast %get3A_534 : vector<1x16xf32> to vector<16xf32>
            %add3A_536 = arith.addf %get3A_535, %while3A_521#1 : vector<16xf32>
            %swap3A_537 = arith.index_cast %while3A_498 : i32 to index
            %swap3A_538 = arith.constant 16 : index
            %swap3A_539 = tpu.vector_load %arg12[%swap3A_537, %swap3A_538] {strides = array<i32>} : memref<64x128xf32, #tpu.memory_space<vmem>>, vector<1x16xf32>,
            %swap3A_540 = vector.shape_cast %swap3A_539 : vector<1x16xf32> to vector<16xf32>
            %swap3A_541 = vector.shape_cast %add3A_536 : vector<16xf32> to vector<1x16xf32>
            tpu.vector_store %arg12[%swap3A_537, %swap3A_538], %swap3A_541 {strides = array<i32>} : memref<64x128xf32, #tpu.memory_space<vmem>>, vector<1x16xf32>,
            %get3A_542 = arith.index_cast %while3A_498 : i32 to index
            %get3A_543 = arith.constant 32 : index
            %get3A_544 = tpu.vector_load %arg12[%get3A_542, %get3A_543] {strides = array<i32>} : memref<64x128xf32, #tpu.memory_space<vmem>>, vector<1x16xf32>,
            %get3A_545 = vector.shape_cast %get3A_544 : vector<1x16xf32> to vector<16xf32>
            %add3A_546 = arith.addf %get3A_545, %while3A_521#2 : vector<16xf32>
            %swap3A_547 = arith.index_cast %while3A_498 : i32 to index
            %swap3A_548 = arith.constant 32 : index
            %swap3A_549 = tpu.vector_load %arg12[%swap3A_547, %swap3A_548] {strides = array<i32>} : memref<64x128xf32, #tpu.memory_space<vmem>>, vector<1x16xf32>,
            %swap3A_550 = vector.shape_cast %swap3A_549 : vector<1x16xf32> to vector<16xf32>
            %swap3A_551 = vector.shape_cast %add3A_546 : vector<16xf32> to vector<1x16xf32>
            tpu.vector_store %arg12[%swap3A_547, %swap3A_548], %swap3A_551 {strides = array<i32>} : memref<64x128xf32, #tpu.memory_space<vmem>>, vector<1x16xf32>,
            %get3A_552 = arith.index_cast %while3A_498 : i32 to index
            %get3A_553 = arith.constant 48 : index
            %get3A_554 = tpu.vector_load %arg12[%get3A_552, %get3A_553] {strides = array<i32>} : memref<64x128xf32, #tpu.memory_space<vmem>>, vector<1x16xf32>,
            %get3A_555 = vector.shape_cast %get3A_554 : vector<1x16xf32> to vector<16xf32>
            %add3A_556 = arith.addf %get3A_555, %while3A_521#3 : vector<16xf32>
            %swap3A_557 = arith.index_cast %while3A_498 : i32 to index
            %swap3A_558 = arith.constant 48 : index
            %swap3A_559 = tpu.vector_load %arg12[%swap3A_557, %swap3A_558] {strides = array<i32>} : memref<64x128xf32, #tpu.memory_space<vmem>>, vector<1x16xf32>,
            %swap3A_560 = vector.shape_cast %swap3A_559 : vector<1x16xf32> to vector<16xf32>
            %swap3A_561 = vector.shape_cast %add3A_556 : vector<16xf32> to vector<1x16xf32>
            tpu.vector_store %arg12[%swap3A_557, %swap3A_558], %swap3A_561 {strides = array<i32>} : memref<64x128xf32, #tpu.memory_space<vmem>>, vector<1x16xf32>,
            %get3A_562 = arith.index_cast %while3A_498 : i32 to index
            %get3A_563 = arith.constant 64 : index
            %get3A_564 = tpu.vector_load %arg12[%get3A_562, %get3A_563] {strides = array<i32>} : memref<64x128xf32, #tpu.memory_space<vmem>>, vector<1x16xf32>,
            %get3A_565 = vector.shape_cast %get3A_564 : vector<1x16xf32> to vector<16xf32>
            %add3A_566 = arith.addf %get3A_565, %while3A_521#4 : vector<16xf32>
            %swap3A_567 = arith.index_cast %while3A_498 : i32 to index
            %swap3A_568 = arith.constant 64 : index
            %swap3A_569 = tpu.vector_load %arg12[%swap3A_567, %swap3A_568] {strides = array<i32>} : memref<64x128xf32, #tpu.memory_space<vmem>>, vector<1x16xf32>,
            %swap3A_570 = vector.shape_cast %swap3A_569 : vector<1x16xf32> to vector<16xf32>
            %swap3A_571 = vector.shape_cast %add3A_566 : vector<16xf32> to vector<1x16xf32>
            tpu.vector_store %arg12[%swap3A_567, %swap3A_568], %swap3A_571 {strides = array<i32>} : memref<64x128xf32, #tpu.memory_space<vmem>>, vector<1x16xf32>,
            %get3A_572 = arith.index_cast %while3A_498 : i32 to index
            %get3A_573 = arith.constant 80 : index
            %get3A_574 = tpu.vector_load %arg12[%get3A_572, %get3A_573] {strides = array<i32>} : memref<64x128xf32, #tpu.memory_space<vmem>>, vector<1x16xf32>,
            %get3A_575 = vector.shape_cast %get3A_574 : vector<1x16xf32> to vector<16xf32>
            %add3A_576 = arith.addf %get3A_575, %while3A_521#5 : vector<16xf32>
            %swap3A_577 = arith.index_cast %while3A_498 : i32 to index
            %swap3A_578 = arith.constant 80 : index
            %swap3A_579 = tpu.vector_load %arg12[%swap3A_577, %swap3A_578] {strides = array<i32>} : memref<64x128xf32, #tpu.memory_space<vmem>>, vector<1x16xf32>,
            %swap3A_580 = vector.shape_cast %swap3A_579 : vector<1x16xf32> to vector<16xf32>
            %swap3A_581 = vector.shape_cast %add3A_576 : vector<16xf32> to vector<1x16xf32>
            tpu.vector_store %arg12[%swap3A_577, %swap3A_578], %swap3A_581 {strides = array<i32>} : memref<64x128xf32, #tpu.memory_space<vmem>>, vector<1x16xf32>,
            %get3A_582 = arith.index_cast %while3A_498 : i32 to index
            %get3A_583 = arith.constant 96 : index
            %get3A_584 = tpu.vector_load %arg12[%get3A_582, %get3A_583] {strides = array<i32>} : memref<64x128xf32, #tpu.memory_space<vmem>>, vector<1x16xf32>,
            %get3A_585 = vector.shape_cast %get3A_584 : vector<1x16xf32> to vector<16xf32>
            %add3A_586 = arith.addf %get3A_585, %while3A_521#6 : vector<16xf32>
            %swap3A_587 = arith.index_cast %while3A_498 : i32 to index
            %swap3A_588 = arith.constant 96 : index
            %swap3A_589 = tpu.vector_load %arg12[%swap3A_587, %swap3A_588] {strides = array<i32>} : memref<64x128xf32, #tpu.memory_space<vmem>>, vector<1x16xf32>,
            %swap3A_590 = vector.shape_cast %swap3A_589 : vector<1x16xf32> to vector<16xf32>
            %swap3A_591 = vector.shape_cast %add3A_586 : vector<16xf32> to vector<1x16xf32>
            tpu.vector_store %arg12[%swap3A_587, %swap3A_588], %swap3A_591 {strides = array<i32>} : memref<64x128xf32, #tpu.memory_space<vmem>>, vector<1x16xf32>,
            %get3A_592 = arith.index_cast %while3A_498 : i32 to index
            %get3A_593 = arith.constant 112 : index
            %get3A_594 = tpu.vector_load %arg12[%get3A_592, %get3A_593] {strides = array<i32>} : memref<64x128xf32, #tpu.memory_space<vmem>>, vector<1x16xf32>,
            %get3A_595 = vector.shape_cast %get3A_594 : vector<1x16xf32> to vector<16xf32>
            %add3A_596 = arith.addf %get3A_595, %while3A_521#7 : vector<16xf32>
            %swap3A_597 = arith.index_cast %while3A_498 : i32 to index
            %swap3A_598 = arith.constant 112 : index
            %swap3A_599 = tpu.vector_load %arg12[%swap3A_597, %swap3A_598] {strides = array<i32>} : memref<64x128xf32, #tpu.memory_space<vmem>>, vector<1x16xf32>,
            %swap3A_600 = vector.shape_cast %swap3A_599 : vector<1x16xf32> to vector<16xf32>
            %swap3A_601 = vector.shape_cast %add3A_596 : vector<16xf32> to vector<1x16xf32>
            tpu.vector_store %arg12[%swap3A_597, %swap3A_598], %swap3A_601 {strides = array<i32>} : memref<64x128xf32, #tpu.memory_space<vmem>>, vector<1x16xf32>,
          }
          %get3A_398 = arith.index_cast %sub3A_388 : i32 to index
          %get3A_399 = tpu.vector_load %arg9[%get3A_398] {strides = array<i32>} : memref<80xi32, #tpu.memory_space<vmem>>, vector<16xi32>,
          %get3A_400 = vector.shape_cast %get3A_399 : vector<16xi32> to vector<16xi32>
          %slice3A_401 = vector.extract_strided_slice %get3A_400 {offsets = [0], sizes = [1], strides = [1]} : vector<16xi32> to vector<1xi32>
          %squeeze3A_402 = vector.extract %slice3A_401[0] : i32 from vector<1xi32>
          %max3A_403 = arith.maxsi %squeeze3A_402, %add3A_107 : i32
          %while3A_404 = arith.subi %min3A_377, %max3A_403 : i32
          %while3A_405 = arith.addi %max3A_403, %while3A_404 : i32
          %while3A_406 = arith.constant 1 : i32
          %while3A_407 = arith.divsi %while3A_404, %while3A_406 : i32
          %while3A_408 = arith.muli %while3A_407, %while3A_406 : i32
          %while3A_409 = arith.addi %max3A_403, %while3A_408 : i32
          %while3A_410 = arith.constant 1 : i32
          %while3A_411:8 = scf.for %while3A_498 = %max3A_403 to %while3A_409 step %while3A_410 iter_args(%while3A_499 = %broadcast_in_dim3A_74, %while3A_500 = %broadcast_in_dim3A_76, %while3A_501 = %broadcast_in_dim3A_78, %while3A_502 = %broadcast_in_dim3A_80, %while3A_503 = %broadcast_in_dim3A_82, %while3A_504 = %broadcast_in_dim3A_84, %while3A_505 = %broadcast_in_dim3A_86, %while3A_506 = %broadcast_in_dim3A_88) -> (vector<16xf32>, vector<16xf32>, vector<16xf32>, vector<16xf32>, vector<16xf32>, vector<16xf32>, vector<16xf32>, vector<16xf32>)  : i32 {
            %sub3A_507 = arith.subi %while3A_498, %mul3A_374 : i32
            %get3A_508 = arith.index_cast %sub3A_507 : i32 to index
            %get3A_509 = arith.constant 0 : index
            %get3A_510 = tpu.vector_load %arg8[%get3A_508, %get3A_509] {strides = array<i32>} : memref<160x128xf32, #tpu.memory_space<vmem>>, vector<1x16xf32>,
            %get3A_511 = vector.shape_cast %get3A_510 : vector<1x16xf32> to vector<16xf32>
            %add3A_512 = arith.addf %while3A_499, %get3A_511 : vector<16xf32>
            %sub3A_513 = arith.subi %while3A_498, %mul3A_374 : i32
            %get3A_514 = arith.index_cast %sub3A_513 : i32 to index
            %get3A_515 = arith.constant 16 : index
            %get3A_516 = tpu.vector_load %arg8[%get3A_514, %get3A_515] {strides = array<i32>} : memref<160x128xf32, #tpu.memory_space<vmem>>, vector<1x16xf32>,
            %get3A_517 = vector.shape_cast %get3A_516 : vector<1x16xf32> to vector<16xf32>
            %add3A_518 = arith.addf %while3A_500, %get3A_517 : vector<16xf32>
            %sub3A_519 = arith.subi %while3A_498, %mul3A_374 : i32
            %get3A_520 = arith.index_cast %sub3A_519 : i32 to index
            %get3A_521 = arith.constant 32 : index
            %get3A_522 = tpu.vector_load %arg8[%get3A_520, %get3A_521] {strides = array<i32>} : memref<160x128xf32, #tpu.memory_space<vmem>>, vector<1x16xf32>,
            %get3A_523 = vector.shape_cast %get3A_522 : vector<1x16xf32> to vector<16xf32>
            %add3A_524 = arith.addf %while3A_501, %get3A_523 : vector<16xf32>
            %sub3A_525 = arith.subi %while3A_498, %mul3A_374 : i32
            %get3A_526 = arith.index_cast %sub3A_525 : i32 to index
            %get3A_527 = arith.constant 48 : index
            %get3A_528 = tpu.vector_load %arg8[%get3A_526, %get3A_527] {strides = array<i32>} : memref<160x128xf32, #tpu.memory_space<vmem>>, vector<1x16xf32>,
            %get3A_529 = vector.shape_cast %get3A_528 : vector<1x16xf32> to vector<16xf32>
            %add3A_530 = arith.addf %while3A_502, %get3A_529 : vector<16xf32>
            %sub3A_531 = arith.subi %while3A_498, %mul3A_374 : i32
            %get3A_532 = arith.index_cast %sub3A_531 : i32 to index
            %get3A_533 = arith.constant 64 : index
            %get3A_534 = tpu.vector_load %arg8[%get3A_532, %get3A_533] {strides = array<i32>} : memref<160x128xf32, #tpu.memory_space<vmem>>, vector<1x16xf32>,
            %get3A_535 = vector.shape_cast %get3A_534 : vector<1x16xf32> to vector<16xf32>
            %add3A_536 = arith.addf %while3A_503, %get3A_535 : vector<16xf32>
            %sub3A_537 = arith.subi %while3A_498, %mul3A_374 : i32
            %get3A_538 = arith.index_cast %sub3A_537 : i32 to index
            %get3A_539 = arith.constant 80 : index
            %get3A_540 = tpu.vector_load %arg8[%get3A_538, %get3A_539] {strides = array<i32>} : memref<160x128xf32, #tpu.memory_space<vmem>>, vector<1x16xf32>,
            %get3A_541 = vector.shape_cast %get3A_540 : vector<1x16xf32> to vector<16xf32>
            %add3A_542 = arith.addf %while3A_504, %get3A_541 : vector<16xf32>
            %sub3A_543 = arith.subi %while3A_498, %mul3A_374 : i32
            %get3A_544 = arith.index_cast %sub3A_543 : i32 to index
            %get3A_545 = arith.constant 96 : index
            %get3A_546 = tpu.vector_load %arg8[%get3A_544, %get3A_545] {strides = array<i32>} : memref<160x128xf32, #tpu.memory_space<vmem>>, vector<1x16xf32>,
            %get3A_547 = vector.shape_cast %get3A_546 : vector<1x16xf32> to vector<16xf32>
            %add3A_548 = arith.addf %while3A_505, %get3A_547 : vector<16xf32>
            %sub3A_549 = arith.subi %while3A_498, %mul3A_374 : i32
            %get3A_550 = arith.index_cast %sub3A_549 : i32 to index
            %get3A_551 = arith.constant 112 : index
            %get3A_552 = tpu.vector_load %arg8[%get3A_550, %get3A_551] {strides = array<i32>} : memref<160x128xf32, #tpu.memory_space<vmem>>, vector<1x16xf32>,
            %get3A_553 = vector.shape_cast %get3A_552 : vector<1x16xf32> to vector<16xf32>
            %add3A_554 = arith.addf %while3A_506, %get3A_553 : vector<16xf32>
            scf.yield %add3A_512, %add3A_518, %add3A_524, %add3A_530, %add3A_536, %add3A_542, %add3A_548, %add3A_554 : vector<16xf32>, vector<16xf32>, vector<16xf32>, vector<16xf32>, vector<16xf32>, vector<16xf32>, vector<16xf32>, vector<16xf32>
          }
          %while3A_412 = arith.constant 1 : i32
          %while3A_413:8 = scf.for %while3A_498 = %while3A_409 to %while3A_405 step %while3A_412 iter_args(%while3A_499 = %while3A_411#0, %while3A_500 = %while3A_411#1, %while3A_501 = %while3A_411#2, %while3A_502 = %while3A_411#3, %while3A_503 = %while3A_411#4, %while3A_504 = %while3A_411#5, %while3A_505 = %while3A_411#6, %while3A_506 = %while3A_411#7) -> (vector<16xf32>, vector<16xf32>, vector<16xf32>, vector<16xf32>, vector<16xf32>, vector<16xf32>, vector<16xf32>, vector<16xf32>)  : i32 {
            %sub3A_507 = arith.subi %while3A_498, %mul3A_374 : i32
            %get3A_508 = arith.index_cast %sub3A_507 : i32 to index
            %get3A_509 = arith.constant 0 : index
            %get3A_510 = tpu.vector_load %arg8[%get3A_508, %get3A_509] {strides = array<i32>} : memref<160x128xf32, #tpu.memory_space<vmem>>, vector<1x16xf32>,
            %get3A_511 = vector.shape_cast %get3A_510 : vector<1x16xf32> to vector<16xf32>
            %add3A_512 = arith.addf %while3A_499, %get3A_511 : vector<16xf32>
            %sub3A_513 = arith.subi %while3A_498, %mul3A_374 : i32
            %get3A_514 = arith.index_cast %sub3A_513 : i32 to index
            %get3A_515 = arith.constant 16 : index
            %get3A_516 = tpu.vector_load %arg8[%get3A_514, %get3A_515] {strides = array<i32>} : memref<160x128xf32, #tpu.memory_space<vmem>>, vector<1x16xf32>,
            %get3A_517 = vector.shape_cast %get3A_516 : vector<1x16xf32> to vector<16xf32>
            %add3A_518 = arith.addf %while3A_500, %get3A_517 : vector<16xf32>
            %sub3A_519 = arith.subi %while3A_498, %mul3A_374 : i32
            %get3A_520 = arith.index_cast %sub3A_519 : i32 to index
            %get3A_521 = arith.constant 32 : index
            %get3A_522 = tpu.vector_load %arg8[%get3A_520, %get3A_521] {strides = array<i32>} : memref<160x128xf32, #tpu.memory_space<vmem>>, vector<1x16xf32>,
            %get3A_523 = vector.shape_cast %get3A_522 : vector<1x16xf32> to vector<16xf32>
            %add3A_524 = arith.addf %while3A_501, %get3A_523 : vector<16xf32>
            %sub3A_525 = arith.subi %while3A_498, %mul3A_374 : i32
            %get3A_526 = arith.index_cast %sub3A_525 : i32 to index
            %get3A_527 = arith.constant 48 : index
            %get3A_528 = tpu.vector_load %arg8[%get3A_526, %get3A_527] {strides = array<i32>} : memref<160x128xf32, #tpu.memory_space<vmem>>, vector<1x16xf32>,
            %get3A_529 = vector.shape_cast %get3A_528 : vector<1x16xf32> to vector<16xf32>
            %add3A_530 = arith.addf %while3A_502, %get3A_529 : vector<16xf32>
            %sub3A_531 = arith.subi %while3A_498, %mul3A_374 : i32
            %get3A_532 = arith.index_cast %sub3A_531 : i32 to index
            %get3A_533 = arith.constant 64 : index
            %get3A_534 = tpu.vector_load %arg8[%get3A_532, %get3A_533] {strides = array<i32>} : memref<160x128xf32, #tpu.memory_space<vmem>>, vector<1x16xf32>,
            %get3A_535 = vector.shape_cast %get3A_534 : vector<1x16xf32> to vector<16xf32>
            %add3A_536 = arith.addf %while3A_503, %get3A_535 : vector<16xf32>
            %sub3A_537 = arith.subi %while3A_498, %mul3A_374 : i32
            %get3A_538 = arith.index_cast %sub3A_537 : i32 to index
            %get3A_539 = arith.constant 80 : index
            %get3A_540 = tpu.vector_load %arg8[%get3A_538, %get3A_539] {strides = array<i32>} : memref<160x128xf32, #tpu.memory_space<vmem>>, vector<1x16xf32>,
            %get3A_541 = vector.shape_cast %get3A_540 : vector<1x16xf32> to vector<16xf32>
            %add3A_542 = arith.addf %while3A_504, %get3A_541 : vector<16xf32>
            %sub3A_543 = arith.subi %while3A_498, %mul3A_374 : i32
            %get3A_544 = arith.index_cast %sub3A_543 : i32 to index
            %get3A_545 = arith.constant 96 : index
            %get3A_546 = tpu.vector_load %arg8[%get3A_544, %get3A_545] {strides = array<i32>} : memref<160x128xf32, #tpu.memory_space<vmem>>, vector<1x16xf32>,
            %get3A_547 = vector.shape_cast %get3A_546 : vector<1x16xf32> to vector<16xf32>
            %add3A_548 = arith.addf %while3A_505, %get3A_547 : vector<16xf32>
            %sub3A_549 = arith.subi %while3A_498, %mul3A_374 : i32
            %get3A_550 = arith.index_cast %sub3A_549 : i32 to index
            %get3A_551 = arith.constant 112 : index
            %get3A_552 = tpu.vector_load %arg8[%get3A_550, %get3A_551] {strides = array<i32>} : memref<160x128xf32, #tpu.memory_space<vmem>>, vector<1x16xf32>,
            %get3A_553 = vector.shape_cast %get3A_552 : vector<1x16xf32> to vector<16xf32>
            %add3A_554 = arith.addf %while3A_506, %get3A_553 : vector<16xf32>
            scf.yield %add3A_512, %add3A_518, %add3A_524, %add3A_530, %add3A_536, %add3A_542, %add3A_548, %add3A_554 : vector<16xf32>, vector<16xf32>, vector<16xf32>, vector<16xf32>, vector<16xf32>, vector<16xf32>, vector<16xf32>, vector<16xf32>
          }
          %jit3A_414 = arith.constant 0 : i32
          %jit3A_415 = arith.constant 63 : i32
          %max3A_416 = arith.maxsi %jit3A_414, %sub3A_388 : i32
          %min3A_417 = arith.minsi %jit3A_415, %max3A_416 : i32
          %get3A_418 = arith.index_cast %min3A_417 : i32 to index
          %get3A_419 = arith.constant 0 : index
          %get3A_420 = tpu.vector_load %arg12[%get3A_418, %get3A_419] {strides = array<i32>} : memref<64x128xf32, #tpu.memory_space<vmem>>, vector<1x16xf32>,
          %get3A_421 = vector.shape_cast %get3A_420 : vector<1x16xf32> to vector<16xf32>
          %add3A_422 = arith.addf %get3A_421, %while3A_413#0 : vector<16xf32>
          %swap3A_423 = arith.index_cast %min3A_417 : i32 to index
          %swap3A_424 = arith.constant 0 : index
          %swap3A_425 = tpu.vector_load %arg12[%swap3A_423, %swap3A_424] {strides = array<i32>} : memref<64x128xf32, #tpu.memory_space<vmem>>, vector<1x16xf32>,
          %swap3A_426 = vector.shape_cast %swap3A_425 : vector<1x16xf32> to vector<16xf32>
          %swap3A_427 = vector.shape_cast %add3A_422 : vector<16xf32> to vector<1x16xf32>
          tpu.vector_store %arg12[%swap3A_423, %swap3A_424], %swap3A_427 {strides = array<i32>} : memref<64x128xf32, #tpu.memory_space<vmem>>, vector<1x16xf32>,
          %get3A_428 = arith.index_cast %min3A_417 : i32 to index
          %get3A_429 = arith.constant 16 : index
          %get3A_430 = tpu.vector_load %arg12[%get3A_428, %get3A_429] {strides = array<i32>} : memref<64x128xf32, #tpu.memory_space<vmem>>, vector<1x16xf32>,
          %get3A_431 = vector.shape_cast %get3A_430 : vector<1x16xf32> to vector<16xf32>
          %add3A_432 = arith.addf %get3A_431, %while3A_413#1 : vector<16xf32>
          %swap3A_433 = arith.index_cast %min3A_417 : i32 to index
          %swap3A_434 = arith.constant 16 : index
          %swap3A_435 = tpu.vector_load %arg12[%swap3A_433, %swap3A_434] {strides = array<i32>} : memref<64x128xf32, #tpu.memory_space<vmem>>, vector<1x16xf32>,
          %swap3A_436 = vector.shape_cast %swap3A_435 : vector<1x16xf32> to vector<16xf32>
          %swap3A_437 = vector.shape_cast %add3A_432 : vector<16xf32> to vector<1x16xf32>
          tpu.vector_store %arg12[%swap3A_433, %swap3A_434], %swap3A_437 {strides = array<i32>} : memref<64x128xf32, #tpu.memory_space<vmem>>, vector<1x16xf32>,
          %get3A_438 = arith.index_cast %min3A_417 : i32 to index
          %get3A_439 = arith.constant 32 : index
          %get3A_440 = tpu.vector_load %arg12[%get3A_438, %get3A_439] {strides = array<i32>} : memref<64x128xf32, #tpu.memory_space<vmem>>, vector<1x16xf32>,
          %get3A_441 = vector.shape_cast %get3A_440 : vector<1x16xf32> to vector<16xf32>
          %add3A_442 = arith.addf %get3A_441, %while3A_413#2 : vector<16xf32>
          %swap3A_443 = arith.index_cast %min3A_417 : i32 to index
          %swap3A_444 = arith.constant 32 : index
          %swap3A_445 = tpu.vector_load %arg12[%swap3A_443, %swap3A_444] {strides = array<i32>} : memref<64x128xf32, #tpu.memory_space<vmem>>, vector<1x16xf32>,
          %swap3A_446 = vector.shape_cast %swap3A_445 : vector<1x16xf32> to vector<16xf32>
          %swap3A_447 = vector.shape_cast %add3A_442 : vector<16xf32> to vector<1x16xf32>
          tpu.vector_store %arg12[%swap3A_443, %swap3A_444], %swap3A_447 {strides = array<i32>} : memref<64x128xf32, #tpu.memory_space<vmem>>, vector<1x16xf32>,
          %get3A_448 = arith.index_cast %min3A_417 : i32 to index
          %get3A_449 = arith.constant 48 : index
          %get3A_450 = tpu.vector_load %arg12[%get3A_448, %get3A_449] {strides = array<i32>} : memref<64x128xf32, #tpu.memory_space<vmem>>, vector<1x16xf32>,
          %get3A_451 = vector.shape_cast %get3A_450 : vector<1x16xf32> to vector<16xf32>
          %add3A_452 = arith.addf %get3A_451, %while3A_413#3 : vector<16xf32>
          %swap3A_453 = arith.index_cast %min3A_417 : i32 to index
          %swap3A_454 = arith.constant 48 : index
          %swap3A_455 = tpu.vector_load %arg12[%swap3A_453, %swap3A_454] {strides = array<i32>} : memref<64x128xf32, #tpu.memory_space<vmem>>, vector<1x16xf32>,
          %swap3A_456 = vector.shape_cast %swap3A_455 : vector<1x16xf32> to vector<16xf32>
          %swap3A_457 = vector.shape_cast %add3A_452 : vector<16xf32> to vector<1x16xf32>
          tpu.vector_store %arg12[%swap3A_453, %swap3A_454], %swap3A_457 {strides = array<i32>} : memref<64x128xf32, #tpu.memory_space<vmem>>, vector<1x16xf32>,
          %get3A_458 = arith.index_cast %min3A_417 : i32 to index
          %get3A_459 = arith.constant 64 : index
          %get3A_460 = tpu.vector_load %arg12[%get3A_458, %get3A_459] {strides = array<i32>} : memref<64x128xf32, #tpu.memory_space<vmem>>, vector<1x16xf32>,
          %get3A_461 = vector.shape_cast %get3A_460 : vector<1x16xf32> to vector<16xf32>
          %add3A_462 = arith.addf %get3A_461, %while3A_413#4 : vector<16xf32>
          %swap3A_463 = arith.index_cast %min3A_417 : i32 to index
          %swap3A_464 = arith.constant 64 : index
          %swap3A_465 = tpu.vector_load %arg12[%swap3A_463, %swap3A_464] {strides = array<i32>} : memref<64x128xf32, #tpu.memory_space<vmem>>, vector<1x16xf32>,
          %swap3A_466 = vector.shape_cast %swap3A_465 : vector<1x16xf32> to vector<16xf32>
          %swap3A_467 = vector.shape_cast %add3A_462 : vector<16xf32> to vector<1x16xf32>
          tpu.vector_store %arg12[%swap3A_463, %swap3A_464], %swap3A_467 {strides = array<i32>} : memref<64x128xf32, #tpu.memory_space<vmem>>, vector<1x16xf32>,
          %get3A_468 = arith.index_cast %min3A_417 : i32 to index
          %get3A_469 = arith.constant 80 : index
          %get3A_470 = tpu.vector_load %arg12[%get3A_468, %get3A_469] {strides = array<i32>} : memref<64x128xf32, #tpu.memory_space<vmem>>, vector<1x16xf32>,
          %get3A_471 = vector.shape_cast %get3A_470 : vector<1x16xf32> to vector<16xf32>
          %add3A_472 = arith.addf %get3A_471, %while3A_413#5 : vector<16xf32>
          %swap3A_473 = arith.index_cast %min3A_417 : i32 to index
          %swap3A_474 = arith.constant 80 : index
          %swap3A_475 = tpu.vector_load %arg12[%swap3A_473, %swap3A_474] {strides = array<i32>} : memref<64x128xf32, #tpu.memory_space<vmem>>, vector<1x16xf32>,
          %swap3A_476 = vector.shape_cast %swap3A_475 : vector<1x16xf32> to vector<16xf32>
          %swap3A_477 = vector.shape_cast %add3A_472 : vector<16xf32> to vector<1x16xf32>
          tpu.vector_store %arg12[%swap3A_473, %swap3A_474], %swap3A_477 {strides = array<i32>} : memref<64x128xf32, #tpu.memory_space<vmem>>, vector<1x16xf32>,
          %get3A_478 = arith.index_cast %min3A_417 : i32 to index
          %get3A_479 = arith.constant 96 : index
          %get3A_480 = tpu.vector_load %arg12[%get3A_478, %get3A_479] {strides = array<i32>} : memref<64x128xf32, #tpu.memory_space<vmem>>, vector<1x16xf32>,
          %get3A_481 = vector.shape_cast %get3A_480 : vector<1x16xf32> to vector<16xf32>
          %add3A_482 = arith.addf %get3A_481, %while3A_413#6 : vector<16xf32>
          %swap3A_483 = arith.index_cast %min3A_417 : i32 to index
          %swap3A_484 = arith.constant 96 : index
          %swap3A_485 = tpu.vector_load %arg12[%swap3A_483, %swap3A_484] {strides = array<i32>} : memref<64x128xf32, #tpu.memory_space<vmem>>, vector<1x16xf32>,
          %swap3A_486 = vector.shape_cast %swap3A_485 : vector<1x16xf32> to vector<16xf32>
          %swap3A_487 = vector.shape_cast %add3A_482 : vector<16xf32> to vector<1x16xf32>
          tpu.vector_store %arg12[%swap3A_483, %swap3A_484], %swap3A_487 {strides = array<i32>} : memref<64x128xf32, #tpu.memory_space<vmem>>, vector<1x16xf32>,
          %get3A_488 = arith.index_cast %min3A_417 : i32 to index
          %get3A_489 = arith.constant 112 : index
          %get3A_490 = tpu.vector_load %arg12[%get3A_488, %get3A_489] {strides = array<i32>} : memref<64x128xf32, #tpu.memory_space<vmem>>, vector<1x16xf32>,
          %get3A_491 = vector.shape_cast %get3A_490 : vector<1x16xf32> to vector<16xf32>
          %add3A_492 = arith.addf %get3A_491, %while3A_413#7 : vector<16xf32>
          %swap3A_493 = arith.index_cast %min3A_417 : i32 to index
          %swap3A_494 = arith.constant 112 : index
          %swap3A_495 = tpu.vector_load %arg12[%swap3A_493, %swap3A_494] {strides = array<i32>} : memref<64x128xf32, #tpu.memory_space<vmem>>, vector<1x16xf32>,
          %swap3A_496 = vector.shape_cast %swap3A_495 : vector<1x16xf32> to vector<16xf32>
          %swap3A_497 = vector.shape_cast %add3A_492 : vector<16xf32> to vector<1x16xf32>
          tpu.vector_store %arg12[%swap3A_493, %swap3A_494], %swap3A_497 {strides = array<i32>} : memref<64x128xf32, #tpu.memory_space<vmem>>, vector<1x16xf32>,
          scf.yield %sub3A_388 : i32
        } else {
          scf.yield %sub3A_195 : i32
        }
        scf.yield %cond3A_306 : i32
      } else {
        scf.yield %scan3A_100 : i32
      }
      scf.yield %cond3A_114 : i32
    }
    %scan3A_96 = arith.constant 32 : i32
    %mul3A_97 = arith.constant 64 : i32
    %mul3A_98 = arith.muli %select_n3A, %mul3A_97 : i32
    "tpu.region"() ({
      %run_scoped3A = tpu.sem_alloc : memref<!tpu.dma_semaphore, #tpu.memory_space<semaphore_mem>>
      %dma_start3A_99 = tpu.memref_slice %arg6[%mul3A_98, %mul3A_32] : memref<512x512xf32, #tpu.memory_space<hbm>> -> memref<64x128xf32, #tpu.memory_space<hbm>>
      %dma_start3A_100 = tpu.memref_slice %arg6[%mul3A_98, %mul3A_32] : memref<512x512xf32, #tpu.memory_space<hbm>> -> memref<64x128xf32, #tpu.memory_space<hbm>>
      tpu.enqueue_dma source(%arg12 : memref<64x128xf32, #tpu.memory_space<vmem>>) target(%dma_start3A_100 : memref<64x128xf32, #tpu.memory_space<hbm>>) target_semaphore(%run_scoped3A : memref<!tpu.dma_semaphore, #tpu.memory_space<semaphore_mem>>)
      %dma_wait3A_101 = tpu.memref_slice %arg6[%mul3A_98, %mul3A_32] : memref<512x512xf32, #tpu.memory_space<hbm>> -> memref<64x128xf32, #tpu.memory_space<hbm>>
      %dma_wait3A_102 = tpu.memref_slice %arg6[%mul3A_98, %mul3A_32] : memref<512x512xf32, #tpu.memory_space<hbm>> -> memref<64x128xf32, #tpu.memory_space<hbm>>
      tpu.wait_dma2 semaphore(%run_scoped3A : memref<!tpu.dma_semaphore, #tpu.memory_space<semaphore_mem>>) src(%arg12 : memref<64x128xf32, #tpu.memory_space<vmem>>) dst(%dma_wait3A_102 : memref<64x128xf32, #tpu.memory_space<hbm>>)
      tpu.yield
    }) : () -> ()
    return
  }
}

module attributes {stable_mosaic.version = 14 : i64} {
  func.func @_mlp_body(%arg0: memref<512x512xf32, #tpu.memory_space<vmem>>, %arg1: memref<6x512x512xf32, #tpu.memory_space<vmem>>, %arg2: memref<6x1x512xf32, #tpu.memory_space<vmem>>, %arg3: memref<512x512xf32, #tpu.memory_space<vmem>>) attributes {dimension_semantics = [], scalar_prefetch = 0 : i64, scratch_operands = 0 : i64, tpu.core_type = #tpu.core_type<tc>} {
    %get3A = arith.constant 0 : index
    %get3A_0 = arith.constant 0 : index
    %get3A_1 = vector.load %arg0[%get3A, %get3A_0] : memref<512x512xf32, #tpu.memory_space<vmem>>, vector<512x512xf32>
    %get3A_2 = arith.constant 0 : index
    %get3A_3 = arith.constant 0 : index
    %get3A_4 = arith.constant 0 : index
    %get3A_5 = vector.load %arg1[%get3A_2, %get3A_3, %get3A_4] : memref<6x512x512xf32, #tpu.memory_space<vmem>>, vector<1x512x512xf32>
    %get3A_6 = vector.shape_cast %get3A_5 : vector<1x512x512xf32> to vector<512x512xf32>
    %dot_general3A = arith.constant dense<0.000000e+00> : vector<512x512xf32>
    %dot_general3A_7 = tpu.matmul %get3A_1, %get3A_6, %dot_general3A {dimension_numbers = #tpu.dot_dimension_numbers<[1], [0], [0], [1], [0, 0, 1, 1], [], []>, precision = #tpu.contract_precision<fp32>, transpose_lhs_hint = false} : vector<512x512xf32>, vector<512x512xf32>, vector<512x512xf32> -> vector<512x512xf32>
    %get3A_8 = arith.constant 0 : index
    %get3A_9 = arith.constant 0 : index
    %get3A_10 = arith.constant 0 : index
    %get3A_11 = vector.load %arg2[%get3A_8, %get3A_9, %get3A_10] : memref<6x1x512xf32, #tpu.memory_space<vmem>>, vector<1x1x512xf32>
    %get3A_12 = vector.shape_cast %get3A_11 : vector<1x1x512xf32> to vector<1x512xf32>
    %add3A = vector.broadcast %get3A_12 : vector<1x512xf32> to vector<512x512xf32>
    %add3A_13 = arith.addf %dot_general3A_7, %add3A : vector<512x512xf32>
    %max3A = arith.constant 0.000000e+00 : f32
    %max3A_14 = vector.broadcast %max3A : f32 to vector<512x512xf32>
    %max3A_15 = arith.maximumf %add3A_13, %max3A_14 : vector<512x512xf32>
    %get3A_16 = arith.constant 1 : index
    %get3A_17 = arith.constant 0 : index
    %get3A_18 = arith.constant 0 : index
    %get3A_19 = vector.load %arg1[%get3A_16, %get3A_17, %get3A_18] : memref<6x512x512xf32, #tpu.memory_space<vmem>>, vector<1x512x512xf32>
    %get3A_20 = vector.shape_cast %get3A_19 : vector<1x512x512xf32> to vector<512x512xf32>
    %dot_general3A_21 = arith.constant dense<0.000000e+00> : vector<512x512xf32>
    %dot_general3A_22 = tpu.matmul %max3A_15, %get3A_20, %dot_general3A_21 {dimension_numbers = #tpu.dot_dimension_numbers<[1], [0], [0], [1], [0, 0, 1, 1], [], []>, precision = #tpu.contract_precision<fp32>, transpose_lhs_hint = false} : vector<512x512xf32>, vector<512x512xf32>, vector<512x512xf32> -> vector<512x512xf32>
    %get3A_23 = arith.constant 1 : index
    %get3A_24 = arith.constant 0 : index
    %get3A_25 = arith.constant 0 : index
    %get3A_26 = vector.load %arg2[%get3A_23, %get3A_24, %get3A_25] : memref<6x1x512xf32, #tpu.memory_space<vmem>>, vector<1x1x512xf32>
    %get3A_27 = vector.shape_cast %get3A_26 : vector<1x1x512xf32> to vector<1x512xf32>
    %add3A_28 = vector.broadcast %get3A_27 : vector<1x512xf32> to vector<512x512xf32>
    %add3A_29 = arith.addf %dot_general3A_22, %add3A_28 : vector<512x512xf32>
    %max3A_30 = arith.constant 0.000000e+00 : f32
    %max3A_31 = vector.broadcast %max3A_30 : f32 to vector<512x512xf32>
    %max3A_32 = arith.maximumf %add3A_29, %max3A_31 : vector<512x512xf32>
    %get3A_33 = arith.constant 2 : index
    %get3A_34 = arith.constant 0 : index
    %get3A_35 = arith.constant 0 : index
    %get3A_36 = vector.load %arg1[%get3A_33, %get3A_34, %get3A_35] : memref<6x512x512xf32, #tpu.memory_space<vmem>>, vector<1x512x512xf32>
    %get3A_37 = vector.shape_cast %get3A_36 : vector<1x512x512xf32> to vector<512x512xf32>
    %dot_general3A_38 = arith.constant dense<0.000000e+00> : vector<512x512xf32>
    %dot_general3A_39 = tpu.matmul %max3A_32, %get3A_37, %dot_general3A_38 {dimension_numbers = #tpu.dot_dimension_numbers<[1], [0], [0], [1], [0, 0, 1, 1], [], []>, precision = #tpu.contract_precision<fp32>, transpose_lhs_hint = false} : vector<512x512xf32>, vector<512x512xf32>, vector<512x512xf32> -> vector<512x512xf32>
    %get3A_40 = arith.constant 2 : index
    %get3A_41 = arith.constant 0 : index
    %get3A_42 = arith.constant 0 : index
    %get3A_43 = vector.load %arg2[%get3A_40, %get3A_41, %get3A_42] : memref<6x1x512xf32, #tpu.memory_space<vmem>>, vector<1x1x512xf32>
    %get3A_44 = vector.shape_cast %get3A_43 : vector<1x1x512xf32> to vector<1x512xf32>
    %add3A_45 = vector.broadcast %get3A_44 : vector<1x512xf32> to vector<512x512xf32>
    %add3A_46 = arith.addf %dot_general3A_39, %add3A_45 : vector<512x512xf32>
    %max3A_47 = arith.constant 0.000000e+00 : f32
    %max3A_48 = vector.broadcast %max3A_47 : f32 to vector<512x512xf32>
    %max3A_49 = arith.maximumf %add3A_46, %max3A_48 : vector<512x512xf32>
    %get3A_50 = arith.constant 3 : index
    %get3A_51 = arith.constant 0 : index
    %get3A_52 = arith.constant 0 : index
    %get3A_53 = vector.load %arg1[%get3A_50, %get3A_51, %get3A_52] : memref<6x512x512xf32, #tpu.memory_space<vmem>>, vector<1x512x512xf32>
    %get3A_54 = vector.shape_cast %get3A_53 : vector<1x512x512xf32> to vector<512x512xf32>
    %dot_general3A_55 = arith.constant dense<0.000000e+00> : vector<512x512xf32>
    %dot_general3A_56 = tpu.matmul %max3A_49, %get3A_54, %dot_general3A_55 {dimension_numbers = #tpu.dot_dimension_numbers<[1], [0], [0], [1], [0, 0, 1, 1], [], []>, precision = #tpu.contract_precision<fp32>, transpose_lhs_hint = false} : vector<512x512xf32>, vector<512x512xf32>, vector<512x512xf32> -> vector<512x512xf32>
    %get3A_57 = arith.constant 3 : index
    %get3A_58 = arith.constant 0 : index
    %get3A_59 = arith.constant 0 : index
    %get3A_60 = vector.load %arg2[%get3A_57, %get3A_58, %get3A_59] : memref<6x1x512xf32, #tpu.memory_space<vmem>>, vector<1x1x512xf32>
    %get3A_61 = vector.shape_cast %get3A_60 : vector<1x1x512xf32> to vector<1x512xf32>
    %add3A_62 = vector.broadcast %get3A_61 : vector<1x512xf32> to vector<512x512xf32>
    %add3A_63 = arith.addf %dot_general3A_56, %add3A_62 : vector<512x512xf32>
    %max3A_64 = arith.constant 0.000000e+00 : f32
    %max3A_65 = vector.broadcast %max3A_64 : f32 to vector<512x512xf32>
    %max3A_66 = arith.maximumf %add3A_63, %max3A_65 : vector<512x512xf32>
    %get3A_67 = arith.constant 4 : index
    %get3A_68 = arith.constant 0 : index
    %get3A_69 = arith.constant 0 : index
    %get3A_70 = vector.load %arg1[%get3A_67, %get3A_68, %get3A_69] : memref<6x512x512xf32, #tpu.memory_space<vmem>>, vector<1x512x512xf32>
    %get3A_71 = vector.shape_cast %get3A_70 : vector<1x512x512xf32> to vector<512x512xf32>
    %dot_general3A_72 = arith.constant dense<0.000000e+00> : vector<512x512xf32>
    %dot_general3A_73 = tpu.matmul %max3A_66, %get3A_71, %dot_general3A_72 {dimension_numbers = #tpu.dot_dimension_numbers<[1], [0], [0], [1], [0, 0, 1, 1], [], []>, precision = #tpu.contract_precision<fp32>, transpose_lhs_hint = false} : vector<512x512xf32>, vector<512x512xf32>, vector<512x512xf32> -> vector<512x512xf32>
    %get3A_74 = arith.constant 4 : index
    %get3A_75 = arith.constant 0 : index
    %get3A_76 = arith.constant 0 : index
    %get3A_77 = vector.load %arg2[%get3A_74, %get3A_75, %get3A_76] : memref<6x1x512xf32, #tpu.memory_space<vmem>>, vector<1x1x512xf32>
    %get3A_78 = vector.shape_cast %get3A_77 : vector<1x1x512xf32> to vector<1x512xf32>
    %add3A_79 = vector.broadcast %get3A_78 : vector<1x512xf32> to vector<512x512xf32>
    %add3A_80 = arith.addf %dot_general3A_73, %add3A_79 : vector<512x512xf32>
    %max3A_81 = arith.constant 0.000000e+00 : f32
    %max3A_82 = vector.broadcast %max3A_81 : f32 to vector<512x512xf32>
    %max3A_83 = arith.maximumf %add3A_80, %max3A_82 : vector<512x512xf32>
    %get3A_84 = arith.constant 5 : index
    %get3A_85 = arith.constant 0 : index
    %get3A_86 = arith.constant 0 : index
    %get3A_87 = vector.load %arg1[%get3A_84, %get3A_85, %get3A_86] : memref<6x512x512xf32, #tpu.memory_space<vmem>>, vector<1x512x512xf32>
    %get3A_88 = vector.shape_cast %get3A_87 : vector<1x512x512xf32> to vector<512x512xf32>
    %dot_general3A_89 = arith.constant dense<0.000000e+00> : vector<512x512xf32>
    %dot_general3A_90 = tpu.matmul %max3A_83, %get3A_88, %dot_general3A_89 {dimension_numbers = #tpu.dot_dimension_numbers<[1], [0], [0], [1], [0, 0, 1, 1], [], []>, precision = #tpu.contract_precision<fp32>, transpose_lhs_hint = false} : vector<512x512xf32>, vector<512x512xf32>, vector<512x512xf32> -> vector<512x512xf32>
    %get3A_91 = arith.constant 5 : index
    %get3A_92 = arith.constant 0 : index
    %get3A_93 = arith.constant 0 : index
    %get3A_94 = vector.load %arg2[%get3A_91, %get3A_92, %get3A_93] : memref<6x1x512xf32, #tpu.memory_space<vmem>>, vector<1x1x512xf32>
    %get3A_95 = vector.shape_cast %get3A_94 : vector<1x1x512xf32> to vector<1x512xf32>
    %add3A_96 = vector.broadcast %get3A_95 : vector<1x512xf32> to vector<512x512xf32>
    %add3A_97 = arith.addf %dot_general3A_90, %add3A_96 : vector<512x512xf32>
    %max3A_98 = arith.constant 0.000000e+00 : f32
    %max3A_99 = vector.broadcast %max3A_98 : f32 to vector<512x512xf32>
    %max3A_100 = arith.maximumf %add3A_97, %max3A_99 : vector<512x512xf32>
    %swap3A = arith.constant 0 : index
    %swap3A_101 = arith.constant 0 : index
    %swap3A_102 = vector.load %arg3[%swap3A, %swap3A_101] : memref<512x512xf32, #tpu.memory_space<vmem>>, vector<512x512xf32>
    tpu.vector_store %arg3[%swap3A, %swap3A_101], %max3A_100 {strides = array<i32>} : memref<512x512xf32, #tpu.memory_space<vmem>>, vector<512x512xf32>,
    return
  }
}

module attributes {stable_mosaic.version = 14 : i64} {
  func.func @_bcast_body(%arg0: i32, %arg1: memref<400x512xf32, #tpu.memory_space<vmem>>, %arg2: memref<1x1x400xi32, #tpu.memory_space<vmem>>, %arg3: memref<512x512xf32, #tpu.memory_space<vmem>>, %arg4: memref<400x512xf32, #tpu.memory_space<vmem>>) attributes {dimension_semantics = [#tpu.dimension_semantics<arbitrary>], iteration_bounds = array<i64: 25>, scalar_prefetch = 0 : i64, scratch_operands = 0 : i64, tpu.core_type = #tpu.core_type<tc>, window_params = [{transform_indices = @transform_0, window_bounds = array<i64: 400, 512>}, {transform_indices = @transform_1, window_bounds = array<i64: 1, 1, 400>}, {pipeline_mode = #tpu.pipeline_mode<synchronous>, transform_indices = @transform_2, window_bounds = array<i64: 512, 512>}, {transform_indices = @transform_3, window_bounds = array<i64: 400, 512>}]} {
    %get3A = arith.constant 0 : index
    %get3A_0 = arith.constant 0 : index
    %get3A_1 = arith.constant 0 : index
    %get3A_2 = vector.load %arg2[%get3A, %get3A_0, %get3A_1] : memref<1x1x400xi32, #tpu.memory_space<vmem>>, vector<1x1x400xi32>
    %get3A_3 = vector.shape_cast %get3A_2 : vector<1x1x400xi32> to vector<400xi32>
    %broadcast_in_dim3A = vector.shape_cast %get3A_3 : vector<400xi32> to vector<400x1xi32>
    %iota3A = tpu.iota {dimensions = array<i32: 1>} : vector<400x512xi32>
    %eq3A = vector.broadcast %broadcast_in_dim3A : vector<400x1xi32> to vector<400x512xi32>
    %eq3A_4 = arith.cmpi eq, %eq3A, %iota3A : vector<400x512xi32>
    %convert_element_type3A = arith.extui %eq3A_4 : vector<400x512xi1> to vector<400x512xi32>
    %convert_element_type3A_5 = arith.sitofp %convert_element_type3A : vector<400x512xi32> to vector<400x512xf32>
    %get3A_6 = arith.constant 0 : index
    %get3A_7 = arith.constant 0 : index
    %get3A_8 = vector.load %arg1[%get3A_6, %get3A_7] : memref<400x512xf32, #tpu.memory_space<vmem>>, vector<400x512xf32>
    %get3A_9 = arith.constant 0 : index
    %get3A_10 = arith.constant 0 : index
    %get3A_11 = vector.load %arg3[%get3A_9, %get3A_10] : memref<512x512xf32, #tpu.memory_space<vmem>>, vector<512x512xf32>
    %dot_general3A = arith.constant dense<0.000000e+00> : vector<400x512xf32>
    %dot_general3A_12 = tpu.matmul %convert_element_type3A_5, %get3A_11, %dot_general3A {dimension_numbers = #tpu.dot_dimension_numbers<[1], [0], [0], [1], [0, 0, 1, 1], [], []>, transpose_lhs_hint = false} : vector<400x512xf32>, vector<512x512xf32>, vector<400x512xf32> -> vector<400x512xf32>
    %add3A = arith.addf %get3A_8, %dot_general3A_12 : vector<400x512xf32>
    %swap3A = arith.constant 0 : index
    %swap3A_13 = arith.constant 0 : index
    %swap3A_14 = vector.load %arg4[%swap3A, %swap3A_13] : memref<400x512xf32, #tpu.memory_space<vmem>>, vector<400x512xf32>
    tpu.vector_store %arg4[%swap3A, %swap3A_13], %add3A {strides = array<i32>} : memref<400x512xf32, #tpu.memory_space<vmem>>, vector<400x512xf32>,
    return
  }
  func.func @transform_0(%arg0: i32) -> (i32, i32) {
    %c0_i32 = arith.constant 0 : i32
    %c0_i32_0 = arith.constant 0 : i32
    return %arg0, %c0_i32 : i32, i32
  }
  func.func @transform_1(%arg0: i32) -> (i32, i32, i32) {
    %c0_i32 = arith.constant 0 : i32
    %c0_i32_0 = arith.constant 0 : i32
    %c0_i32_1 = arith.constant 0 : i32
    return %arg0, %c0_i32, %c0_i32_0 : i32, i32, i32
  }
  func.func @transform_2(%arg0: i32) -> (i32, i32) {
    %c0_i32 = arith.constant 0 : i32
    %c0_i32_0 = arith.constant 0 : i32
    %c0_i32_1 = arith.constant 0 : i32
    return %c0_i32, %c0_i32_0 : i32, i32
  }
  func.func @transform_3(%arg0: i32) -> (i32, i32) {
    %c0_i32 = arith.constant 0 : i32
    %c0_i32_0 = arith.constant 0 : i32
    return %arg0, %c0_i32 : i32, i32
  }
}

</mosaic_0001>

<sc_bundles>
// kernel: kernel.5.cloned.1.call-start
scs
__scs_entry_jumppad:
0x0: {  	(pc) =	sbr.rel $0x88, $3  }
0x1: {  	(tag) =	ssettag $0x0;
	lr =	simm.s32 $0x1  }
0x2: {  	[smem:$0x3F9D] =	sst lr;
	_ =	strace $0xD0000000  }
0x3: {  	_ = 	snop  }
0x4: {  	_ = 	snop  }
0x5: {  	_ = 	snop  }
0x6: {  	_ = 	snop  }
0x7: {  	_ = 	snop  }
__scs_overlays_trampoline_lowered:
0x8: {  	[smem:$0x3FAC] =	sst s0  }
0x9: {  	[smem:$0x3FAD] =	sst s1  }
0xa: {  	[smem:$0x3FAE] =	sst s2  }
0xb: {  	[smem:$0x3FAF] =	sst s3  }
0xc: {  	[smem:$0x3FB0] =	sst s4  }
0xd: {  	[smem:$0x3FB1] =	sst s5  }
0xe: {  	[smem:$0x3FB2] =	sst s6  }
0xf: {  	[smem:$0x3FB3] =	sst s7  }
0x10: {  	[smem:$0x3FB4] =	sst s8  }
0x11: {  	[smem:$0x3FB5] =	sst s9;
	s0 =	simm.s32 @!p0 $0x0  }
0x12: {  	s1 =	sld [smem:$0x3F9B];
	s0 =	simm.s32 @p0 $0x1  }
0x13: {  	[smem:$0x3FB6] =	sst s0;
	s0 =	simm.s32 @!p1 $0x0  }
0x14: {  	s2 =	sld [smem:$0x3F9A];
	s0 =	simm.s32 @p1 $0x1  }
0x15: {  	[smem:$0x3FB7] =	sst s0;
	s0 =	simm.s32 @!p2 $0x0  }
0x16: {  	s3 =	sld [smem:$0x3FDB];
	s0 =	simm.s32 @p2 $0x1  }
0x17: {  	s4 =	simm.s32 $0x1BF5;
	[smem:$0x3FB9] =	sst s0  }
0x18: {  	s0 =	sld [smem:$0x3F9C];
	_ =	swait.ge [sflag:s4], $0x0  }
0x19: {  	s7 =	sld [smem:$0x3F9D]  }
0x1a: {  	s8 =	sadd.s32 $0xFFFFE003, lr  }
0x1b: {  	s9 =	sadd.s32 $0xFFFFFEF7, lr;
	s5 =	simm.s32 $0xFFFFFFFF;
	p2 =	slt.u32 s8, $0xFFFFF086  }
0x1c: {  	p1 =	slt.u32 s9, $0xF7A;
	s5 =	simm.s32 @!p2 $0x0  }
0x1d: {  	s5 =	simm.s32 @p1 $0x1;
	p0 =	seq.s32 s7, s2  }
0x1e: {  	s7 =	smul.u32 @!p0 $0xF7A, s2;
	p2 =	seq.s32 @!p0 s5, $0x0  }
0x1f: {  	s9 =	smul.u32 $0xF7A, s1;
	s8 =	simm.s32 @!p0 $0x1BF5;
	p2 =	por !p2, p0  }
0x20: {  	[sflag:s8] =	ssyncset.s32 @!p0 $0xFFFFF086;
	s6 =	sadd.s32 @!p0 s3, s7;
	s7 =	simm.s32 @!p0 $0x108  }
0x21: {  	s3 =	sadd.s32 s3, s9;
	s6 =	sadd.s32 @!p0 $0x88, s6;
	s7 =	simm.s32 @p2 $0x1082  }
0x22: {  	[simem:s7], [sflag:s8] =	dma.local @!p0 [hbm:s6], $0xF7A  }
0x23: {  	s9 =	sor.u32 $0xD0000000, s2;
	s6 =	simm.s32 $0x108;
	_ =	swait.ge @!p0 [sflag:s8], $0x0  }
0x24: {  	s3 =	sadd.s32 $0x88, s3;
	s6 =	simm.s32 @!p1 $0x1082;
	[sflag:s4] =	ssyncset.s32 $0xFFFFF086  }
0x25: {  	[simem:s6], [sflag:s4] =	dma.local [hbm:s3], $0xF7A  }
0x26: {  	[smem:$0x3F9D] =	sst s1;
	(tag) =	ssettag s2;
	_ =	strace s9  }
0x27: {  	s1 =	sld [smem:$0x3FAD]  }
0x28: {  	s2 =	sld [smem:$0x3FAE]  }
0x29: {  	s4 =	sld [smem:$0x3FB0]  }
0x2a: {  	p0 =	seq.s32 s5, $0x0;
	s5 =	sld [smem:$0x3FB1]  }
0x2b: {  	s6 =	sld [smem:$0x3FB2]  }
0x2c: {  	s7 =	sld [smem:$0x3FB3]  }
0x2d: {  	s3 =	simm.s32 $0x108;
	s8 =	sld [smem:$0x3FB4]  }
0x2e: {  	s3 =	simm.s32 @!p0 $0x1082;
	s9 =	sld [smem:$0x3FB5]  }
0x2f: {  	lr =	sadd.s32 s0, s3;
	s0 =	sld [smem:$0x3FAC]  }
0x30: {  	s3 =	sld [smem:$0x3FAF]  }
0x31: {  	[smem:$0x3FB8] =	sst s10  }
0x32: {  	s10 =	sld [smem:$0x3FB6];
	_ =	sdelay $0x3  }
0x33: {  	p0 =	seq.s32 s10, $0x1;
	s10 =	sld [smem:$0x3FB8];
	_ =	sdelay $0x3  }
0x34: {  	[smem:$0x3FB8] =	sst s10  }
0x35: {  	s10 =	sld [smem:$0x3FB7];
	_ =	sdelay $0x3  }
0x36: {  	p1 =	seq.s32 s10, $0x1;
	s10 =	sld [smem:$0x3FB8];
	_ =	sdelay $0x3  }
0x37: {  	[smem:$0x3FB8] =	sst s10  }
0x38: {  	s10 =	sld [smem:$0x3FB9]  }
0x39: {  	_ = 	snop;
	(pc) =	sbr.ind lr, $3  }
0x3a: {  	_ = 	snop  }
0x3b: {  	_ = 	snop  }
0x3c: {  	p2 =	seq.s32 s10, $0x1;
	s10 =	sld [smem:$0x3FB8]  }
0x3d: {  	_ =	shalt  }
0x3e: {  	_ =	shalt  }
0x3f: {  	_ =	shalt  }
0x40: {  	_ =	shalt  }
0x41: {  	_ =	shalt  }
0x42: {  	_ =	shalt  }
0x43: {  	_ =	shalt  }
0x44: {  	_ =	shalt  }
0x45: {  	_ =	shalt  }
0x46: {  	_ =	shalt  }
0x47: {  	_ =	shalt  }
0x48: {  	_ =	shalt  }
0x49: {  	_ =	shalt  }
0x4a: {  	_ =	shalt  }
0x4b: {  	_ =	shalt  }
0x4c: {  	_ =	shalt  }
0x4d: {  	_ =	shalt  }
0x4e: {  	_ =	shalt  }
0x4f: {  	_ =	shalt  }
0x50: {  	_ =	shalt  }
0x51: {  	_ =	shalt  }
0x52: {  	_ =	shalt  }
0x53: {  	_ =	shalt  }
0x54: {  	_ =	shalt  }
0x55: {  	_ =	shalt  }
0x56: {  	_ =	shalt  }
0x57: {  	_ =	shalt  }
0x58: {  	_ =	shalt  }
0x59: {  	_ =	shalt  }
0x5a: {  	_ =	shalt  }
0x5b: {  	_ =	shalt  }
0x5c: {  	_ =	shalt  }
0x5d: {  	_ =	shalt  }
0x5e: {  	_ =	shalt  }
0x5f: {  	_ =	shalt  }
0x60: {  	_ =	shalt  }
0x61: {  	_ =	shalt  }
0x62: {  	_ =	shalt  }
0x63: {  	_ =	shalt  }
0x64: {  	_ =	shalt  }
0x65: {  	_ =	shalt  }
0x66: {  	_ =	shalt  }
0x67: {  	_ =	shalt  }
0x68: {  	_ =	shalt  }
0x69: {  	_ =	shalt  }
0x6a: {  	_ =	shalt  }
0x6b: {  	_ =	shalt  }
0x6c: {  	_ =	shalt  }
0x6d: {  	_ =	shalt  }
0x6e: {  	_ =	shalt  }
0x6f: {  	_ =	shalt  }
0x70: {  	_ =	shalt  }
0x71: {  	_ =	shalt  }
0x72: {  	_ =	shalt  }
0x73: {  	_ =	shalt  }
0x74: {  	_ =	shalt  }
0x75: {  	_ =	shalt  }
0x76: {  	_ =	shalt  }
0x77: {  	_ =	shalt  }
0x78: {  	_ =	shalt  }
0x79: {  	_ =	shalt  }
0x7a: {  	_ =	shalt  }
0x7b: {  	_ =	shalt  }
0x7c: {  	_ =	shalt  }
0x7d: {  	_ =	shalt  }
0x7e: {  	_ =	shalt  }
0x7f: {  	_ =	shalt  }
0x80: {  	_ =	shalt  }
0x81: {  	_ =	shalt  }
0x82: {  	_ =	shalt  }
0x83: {  	_ =	shalt  }
0x84: {  	_ =	shalt  }
0x85: {  	_ =	shalt  }
0x86: {  	_ =	shalt  }
0x87: {  	_ =	shalt  }
.Lfunc_end0:
.L_simem_size_0:
called_computation_lowered:
.L_overlay_start_0:
0x88: {  	s2 =	sld [smem:$0x3FD9]  }
0x89: {  	s3 =	sld [smem:$0x3FFE];
	_ =	sdelay $0x1  }
0x8a: {  	s1 =	srdreg.scid  }
0x8b: {  	s0 =	sand.u32 $0x1, s1  }
0x8c: {  	s17 =	sshll.u32 s0, $0xA;
	s2 =	sadd.s32 s3, s2  }
0x8d: {  	s2 =	sadd.s32 s2, s17  }
0x8e: {  	[smem:$0x3FC4] =	sst s2  }
0x8f: {  	_ = 	snop  }
0x90: {  	s2 =	sld [smem:$0x3FC9]  }
0x91: {  	s18 =	sld [smem:$0x3FC8]  }
0x92: {  	s4 =	sld [smem:$0x3FD0];
	(tm) =	ssettm $0x1  }
0x93: {  	s5 =	sld [smem:$0x3FFB];
	_ =	sdelay $0x3  }
0x94: {  	_ =	strace s5  }
0x95: {  	s5 =	sld [smem:$0x3FFC];
	_ =	sdelay $0x3  }
0x96: {  	_ =	strace s5  }
0x97: {  	s5 =	sld [smem:$0x3FFD];
	_ =	sdelay $0x3  }
0x98: {  	_ =	strace s5  }
0x99: {  	_ =	strace $0x8FFFFFFF  }
0x9a: {  	s19 =	sld [smem:$0x3FDB];
	_ =	sdelay $0x1  }
0x9b: {  	s6 =	simm.s32 $_scs_section_size  }
0x9c: {  	s7 =	simm.s32 $_size__tile_overlayer_lowered;
	s8 =	simm.s32 $_tile_overlayer_lowered  }
0x9d: {  	s22 =	simm.s32 $0x1BFF;
	s21 =	sshll.u32 s8, $0x1;
	s5 =	sadd.s32 s6, s19  }
0x9e: {  	s9 =	simm.s32 $0x0;
	s20 =	sshll.u32 s7, $0x1;
	s7 =	sadd.s32 s21, s5  }
0x9f: {  	[timem:s9], [sflag:s22] =	dma.local [hbm:s7], s20  }
0xa0: {  	_ =	swait.ge [sflag:s22], s20  }
0xa1: {  	s6 =	ssub.s32 $0x0, s20;
	[sflag:s22] =	ssyncset.done $0x0  }
0xa2: {  	[sflag:s22] =	ssyncadd.s32 s6;
	_ =	sdelay $0x1  }
0xa3: {  	s23 =	simm.s32 $0x1B8B  }
0xa4: {  	_ =	swait.ge [sflag:s23], $0x1  }
0xa5: {  	[sflag:s23] =	ssyncset.done $0x0  }
0xa6: {  	s25 =	simm.s32 $0x1B8E;
	s24 =	sld [smem:$0x3FFE];
	[sflag:s23] =	ssyncadd.s32 $0xFFFFFFFF  }
0xa7: {  	s26 =	simm.s32 $execute0_lowered;
	[smem:$0x3FD2] =	sst s25  }
0xa8: {  	s7 =	sshll.u32 s26, $0x1;
	_ =	strace $0x80000046;
	[dreg:$0x1] =	wrdreg $0xFFFFFFFF  }
0xa9: {  	s28 =	simm.s32 $_size_execute0_lowered;
	s5 =	sadd.s32 s5, s7;
	[dreg:$0x0] =	wrdreg $0x0  }
0xaa: {  	s7 =	sshll.u32 s28, $0x1;
	[dreg:$0x2] =	wrdreg s5  }
0xab: {  	[dreg:$0x3] =	wrdreg s7  }
0xac: {  	[dreg:$0x4] =	wrdreg $0xC0  }
0xad: {  	_ =	task [dreg:s9], $0x5FFFF  }
0xae: {  	[dreg:$0x1] =	wrdreg $0xFFFFFFFF  }
0xaf: {  	[dreg:$0x0] =	wrdreg $0x60  }
0xb0: {  	[dreg:$0x2] =	wrdreg s2  }
0xb1: {  	[dreg:$0x3] =	wrdreg s24  }
0xb2: {  	[dreg:$0x4] =	wrdreg s18  }
0xb3: {  	[dreg:$0x5] =	wrdreg s4  }
0xb4: {  	[dreg:$0x6] =	wrdreg $0x9  }
0xb5: {  	_ =	task.clear_ibuf [dreg:s9], $0x7FFFF;
	_ =	strace $0x90000046  }
0xb6: {  	s29 =	simm.s32 $0x9;
	_ =	strace $0x80000048  }
0xb7: {  	_ =	swait.ge [sflag:s29], $0x1  }
0xb8: {  	[sflag:s29] =	ssyncadd.s32 $0xFFFFFFFF  }
0xb9: {  	_ =	strace $0x90000048  }
0xba: {  	_ =	sfence  }
0xbb: {  	s30 =	sld [smem:$0x0];
	_ =	sdelay $0x2  }
0xbc: {  	s31 =	sshll.u32 s1, $0xD;
	s1 =	sshrl.u32 s1, $0x2  }
0xbd: {  	s3 =	sand.u32 $0x4000, s31;
	s1 =	sadd.s32 s1, s30  }
0xbe: {  	s0 =	sor.u32 s3, s0;
	s1 =	sshll.u32 s1, $0x11  }
0xbf: {  	s0 =	sor.u32 s1, s0  }
0xc0: {  	s0 =	sadd.s32 $0x8F2B, s0  }
0xc1: {  	[sflag:s0] =	ssyncadd.remote.s32 $0x1  }
0xc2: {  	_ =	sfence.sel $0xFFFF  }
0xc3: {  	[dreg:$0x0] =	wrdreg $0xFFFFFFFF;
	(pc) =	sbr.abs _section_cstart, $3  }
0xc4: {  	[dreg:$0x1] =	wrdreg $0xFFFFFFFF  }
0xc5: {  	_ =	task.clear_ibuf [dreg:s9], $0x2FFFF;
	_ =	strace $0x9FFFFFFF  }
0xc6: {  	(tm) =	ssettm $0x7FFFFFFF  }
0xc7: {  	_ =	shalt  }
tec
execute0_lowered:
.L_overlay_start_1:
0x0: {  	(tag) =	ssettag $0x1  }
0x1: {  	s1 =	rddreg [dreg:$0x0]  }
0x2: {  	s0 =	rddreg [dreg:$0x1]  }
0x3: {  	s3 =	rddreg [dreg:$0x2]  }
0x4: {  	s2 =	rddreg [dreg:$0x3];
	s6 =	stileid.u32  }
0x5: {  	s8 =	simm.s32 $0x0;
	s4 =	srdreg.scid;
	s15 =	simm.s32 $0x6  }
0x6: {  	s16 =	simm.s32 $0x5;
	s17 =	simm.s32 $0x1;
	s18 =	simm.s32 $0x3  }
0x7: {  	s19 =	simm.s32 $0x2;
	s20 =	simm.s32 $0x4;
	s21 =	simm.s32 $0x0  }
0x8: {  	s5 =	sshll.u32 s6, $0x1;
	s7 =	sshrl.u32 s6, $0x1;
	s4 =	sand.u32 $0x1, s4  }
0x9: {  	[smem:$0x7FF] =	sst s8;
	s5 =	sand.u32 $0x2, s5;
	s6 =	sshll.u32 s7, $0x3  }
0xa: {  	_ =	strace $0x80000047;
	s9 =	sshll.u32 s7, $0xF;
	s7 =	sshll.u32 s7, $0x6  }
0xb: {  	s5 =	sor.u32 s4, s5;
	s28 =	sadd.s32 s6, s0;
	s4 =	ssub.s32 $0x2, s4  }
.Ltmp0:
0xc: {  	s29 =	sshll.u32 s5, $0x7;
	s5 =	sshll.u32 s5, $0xA;
	(pc) =	sbr.rel .LBB2_1-.Ltmp0, $4  }
0xd: {  	s30 =	sshrl.u32 s4, $0x1;
	s8 =	sadd.s32 $0x1800, s28;
	s0 =	sadd.s32 s29, s0  }
0xe: {  	s9 =	sor.u32 s9, s5;
	s4 =	ssub.s32 s4, s30;
	s6 =	sadd.s32 $0x1A00, s0  }
0xf: {  	s31 =	sshrl.u32 s9, $0x3;
	s10 =	smax.u32 s4, $0x1;
	s0 =	simm.s32 $0x400  }
0x10: {  	s4 =	simm.s32 $0xA280;
	s9 =	sadd.s32 s2, s31;
	s2 =	simm.s32 $0x1000  }
.LBB2_29:
0x11: {  	s21 =	sadd.s32 $0x1, s21  }
0x12: {  	s0 =	simm.s32 $0x400;
	p0 =	sne.s32 s21, s10  }
.Ltmp1:
0x13: {  	s2 =	simm.s32 $0x1000;
	s4 =	simm.s32 $0xA280;
	(pc) =	sbr.rel @!p0 .LBB2_30-.Ltmp1, $4  }
0x14: {  	[hbm4b:s9+s0] =	stream.strided.scatter [tilespmem:s4], [sflag:$0x6], $0x2000, s2, s0, $0x38;
	[tilespmem:$0xC280] =	vst v63  }
0x15: {  	_ =	swait.ge [sflag:s15], $0x2000  }
0x16: {  	[sflag:s15] =	ssyncset.done $0x0  }
0x17: {  	[sflag:s15] =	ssyncadd.s32 $0xFFFFE000  }
.LBB2_1:
0x18: {  	[tilespmem:s4], [sflag:$0x5] =	stream.strided.gather [hbm4b:s6+s0], $0x2000, s2, s0, $0x38;
	[tilespmem:$0xC280] =	vst v63  }
0x19: {  	s24 =	simm.s32 $0x0;
	s25 =	simm.s32 $0xA000  }
0x1a: {  	[tilespmem:s25], [sflag:$0x6] =	stream.linear.gather [hbm4b:s8+s24], $0x50, $0x38;
	[tilespmem:$0xC280] =	vst v63  }
0x1b: {  	_ =	swait.ge [sflag:s15], $0x50  }
0x1c: {  	[sflag:s15] =	ssyncset.done $0x0  }
0x1d: {  	[sflag:s15] =	ssyncadd.s32 $0xFFFFFFB0  }
0x1e: {  	_ =	swait.ge [sflag:s16], $0x2000  }
0x1f: {  	[sflag:s16] =	ssyncset.done $0x0  }
0x20: {  	[sflag:s16] =	ssyncadd.s32 $0xFFFFE000  }
0x21: {  	v0 =	vld [tilespmem:$0xA000];
	_ =	sdelay $0x4  }
0x22: {  	(v2sf) =	vpush v0, $0x0;
	_ =	sdelay $0x1  }
0x23: {  	v63 =	vld [tilespmem:$0xA040];
	_ =	sdelay $0x4  }
0x24: {  	(v2sf) =	vpush v63, $0x0;
	_ =	sdelay $0x7  }
0x25: {  	s26 =	spop (v2sf)  }
0x26: {  	s28 =	sand.u32 $0x7, s26  }
0x27: {  	s30 =	sshra.s32 s26, $0x1F;
	p0 =	slt.s32 s26, $0x1;
	p1 =	sne.s32 s28, $0x0  }
0x28: {  	s31 =	sshrl.u32 s30, $0x1D;
	p0 =	por !p0, !p1  }
0x29: {  	s2 =	simm.s32 $0x1;
	s0 =	sadd.s32 s31, s26;
	p0 =	por !p0, !p0  }
0x2a: {  	s0 =	sshrl.u32 s0, $0x3;
	s2 =	simm.s32 @!p0 $0x0  }
0x2b: {  	s2 =	ssub.s32 s0, s2  }
0x2c: {  	s0 =	spop (v2sf);
	s13 =	sshll.u32 s2, $0x3  }
0x2d: {  	p0 =	sge.s32 s13, s0  }
0x2e: {  	p1 =	slt.s32 @!p0 s13, $0x2670  }
0x2f: {  	s2 =	smov.u32 s13;
	p1 =	por !p1, p0  }
0x30: {  	s2 =	simm.s32 @p1 $0x2670  }
0x31: {  	s29 =	simm.s32 $0x0;
	s26 =	simm.s32 $0x0;
	s4 =	sshll.u32 @!p0 s2, $0x9  }
0x32: {  	s24 =	sadd.s32 $0xA0, s13;
	s11 =	simm.s32 @!p0 $0x400;
	s4 =	sor.u32 @!p0 s5, s4  }
.Ltmp2:
0x33: {  	s12 =	simm.s32 @!p0 $0x1000;
	s4 =	sshrl.u32 @!p0 s4, $0x3;
	(pc) =	sbr.rel .LBB2_2-.Ltmp2, $4  }
0x34: {  	s14 =	simm.s32 @!p0 $0x0;
	s2 =	sshrl.u32 @!p0 s2, $0x3;
	s4 =	sadd.s32 @!p0 s1, s4  }
0x35: {  	[tilespmem:s14], [sflag:$0x1] =	stream.strided.gather @!p0 [hbm4b:s4+s11], $0x5000, s12, s11, $0x38;
	[tilespmem:$0xC280] =	vst v63  }
0x36: {  	s23 =	smov.u32 s13;
	s2 =	sadd.s32 @!p0 s3, s2;
	s4 =	simm.s32 @!p0 $0xA080  }
0x37: {  	[tilespmem:s4], [sflag:$0x3] =	stream.linear.gather @!p0 [hbm4b:s2+s14], $0xA0, $0x38;
	[tilespmem:$0xC280] =	vst v63  }
.LBB2_26:
0x38: {  	v3 =	vadd.f32 v4, v3  }
0x39: {  	v4 =	vadd.f32 v6, v5;
	v5 =	vadd.f32 v7, v8  }
0x3a: {  	v6 =	vadd.f32 v11, v9;
	v7 =	vadd.f32 v12, v10  }
.LBB2_27:
0x3b: {  	p0 =	sgt.s32 s29, $0x0;
	s2 =	smov.u32 s29  }
0x3c: {  	s2 =	simm.s32 @!p0 $0x0  }
0x3d: {  	s2 =	smin.u32 s2, $0x3F  }
0x3e: {  	s2 =	sshll.u32 s2, $0x7  }
0x3f: {  	v8 =	vld [tilespmem:s2+$0xA280]  }
0x40: {  	v9 =	vld [tilespmem:s2+$0xA290]  }
0x41: {  	v10 =	vld [tilespmem:s2+$0xA2A0]  }
0x42: {  	v11 =	vld [tilespmem:s2+$0xA2B0]  }
0x43: {  	v12 =	vld [tilespmem:s2+$0xA2C0]  }
0x44: {  	v57 =	vld [tilespmem:s2+$0xA2D0];
	v7 =	vadd.f32 v8, v7  }
0x45: {  	v58 =	vld [tilespmem:s2+$0xA2E0];
	v1 =	vadd.f32 v9, v1  }
0x46: {  	v59 =	vld [tilespmem:s2+$0xA2F0];
	v2 =	vadd.f32 v10, v2;
	[tilespmem:s2+$0xA280] =	vst v7  }
0x47: {  	v60 =	vadd.f32 v11, v3;
	[tilespmem:s2+$0xA290] =	vst v1  }
0x48: {  	v61 =	vadd.f32 v12, v4;
	[tilespmem:s2+$0xA2A0] =	vst v2  }
0x49: {  	v62 =	vadd.f32 v57, v5;
	[tilespmem:s2+$0xA2B0] =	vst v60  }
0x4a: {  	v63 =	vadd.f32 v58, v6;
	[tilespmem:s2+$0xA2C0] =	vst v61  }
0x4b: {  	v0 =	vadd.f32 v59, v0;
	[tilespmem:s2+$0xA2D0] =	vst v62  }
0x4c: {  	[tilespmem:s2+$0xA2E0] =	vst v63  }
0x4d: {  	[tilespmem:s2+$0xA2F0] =	vst v0  }
.LBB2_28:
0x4e: {  	s26 =	sadd.s32 $0x1, s26  }
0x4f: {  	p0 =	sne.s32 s26, $0x20  }
.Ltmp3:
0x50: {  	_ = 	snop;
	(pc) =	sbr.rel @!p0 .LBB2_29-.Ltmp3, $2  }
0x51: {  	_ =	sdelay $0x2  }
0x52: {  	s23 =	sadd.s32 $0x140, s23;
	s24 =	sadd.s32 $0x140, s24  }
.LBB2_2:
0x53: {  	s2 =	smul.u32 $0x140, s26;
	_ =	sdelay $0x1  }
0x54: {  	s31 =	sadd.s32 s13, s2  }
0x55: {  	p0 =	sge.s32 s31, s0  }
.Ltmp4:
0x56: {  	_ = 	snop;
	(pc) =	sbr.rel @p0 .LBB2_28-.Ltmp4, $1  }
0x57: {  	_ =	sdelay $0x3  }
0x58: {  	s28 =	sadd.s32 $0xA0, s31  }
0x59: {  	p0 =	sge.s32 s28, s0  }
0x5a: {  	p1 =	slt.s32 @!p0 s28, $0x2670  }
0x5b: {  	s2 =	smov.u32 s28;
	p1 =	por !p1, p0  }
0x5c: {  	s2 =	simm.s32 @p1 $0x2670  }
0x5d: {  	s4 =	sshll.u32 @!p0 s2, $0x9  }
0x5e: {  	s4 =	sor.u32 @!p0 s5, s4  }
0x5f: {  	s11 =	simm.s32 @!p0 $0x400;
	s12 =	simm.s32 @!p0 $0x1000;
	s4 =	sshrl.u32 @!p0 s4, $0x3  }
0x60: {  	s14 =	simm.s32 @!p0 $0x5000;
	s2 =	sshrl.u32 @!p0 s2, $0x3;
	s4 =	sadd.s32 @!p0 s1, s4  }
0x61: {  	[tilespmem:s14], [sflag:$0x2] =	stream.strided.gather @!p0 [hbm4b:s4+s11], $0x5000, s12, s11, $0x38;
	[tilespmem:$0xC280] =	vst v63  }
0x62: {  	s2 =	sadd.s32 @!p0 s3, s2;
	s4 =	simm.s32 @!p0 $0x0;
	s11 =	simm.s32 @!p0 $0xA180  }
0x63: {  	[tilespmem:s11], [sflag:$0x4] =	stream.linear.gather @!p0 [hbm4b:s2+s4], $0xA0, $0x38;
	[tilespmem:$0xC280] =	vst v63  }
0x64: {  	_ =	swait.ge [sflag:s17], $0x5000  }
0x65: {  	s22 =	smov.u32 s0;
	[sflag:s17] =	ssyncset.done $0x0  }
0x66: {  	p1 =	slt.s32 s31, $0x2670;
	s2 =	smov.u32 s31;
	[sflag:s17] =	ssyncadd.s32 $0xFFFFB000  }
0x67: {  	s2 =	simm.s32 @!p1 $0x2670;
	p1 =	slt.s32 s28, s0;
	_ =	swait.ge [sflag:s18], $0xA0  }
0x68: {  	s22 =	smov.u32 @p1 s28;
	s2 =	sxor.u32 $0xFFFFFFFF, s2;
	[sflag:s18] =	ssyncset.done $0x0  }
0x69: {  	s2 =	sadd.s32 s2, s22;
	[sflag:s18] =	ssyncadd.s32 $0xFFFFFF60  }
0x6a: {  	v0 =	vld [tilespmem:s2+$0xA080];
	_ =	sdelay $0x4  }
0x6b: {  	(v2sf) =	vpush v0, $0x0;
	_ =	sdelay $0xe  }
0x6c: {  	s25 =	spop (v2sf)  }
0x6d: {  	s4 =	smov.u32 s23;
	p1 =	slt.s32 s23, $0x2670;
	s30 =	ssub.s32 s25, s7  }
0x6e: {  	s4 =	simm.s32 @!p1 $0x2670;
	p1 =	sge.s32 s29, s30  }
.Ltmp5:
0x6f: {  	_ = 	snop;
	(pc) =	sbr.rel @p1 .LBB2_10-.Ltmp5, $2  }
0x70: {  	_ =	sdelay $0x2  }
0x71: {  	s2 =	sshll.u32 s4, $0x9  }
.Ltmp6:
0x72: {  	(pc) =	sbr.rel .LBB2_5-.Ltmp6, $4  }
0x73: {  	_ = 	snop  }
0x74: {  	s4 =	ssub.s32 $0x0, s2  }
0x75: {  	s4 =	sshra.s32 s4, $0x2  }
0x76: {  	s4 =	sadd.s32 $0x40, s4  }
.LBB2_8:
0x77: {  	v3 =	vadd.f32 v4, v3  }
0x78: {  	v4 =	vadd.f32 v6, v5;
	v5 =	vadd.f32 v7, v8  }
0x79: {  	v6 =	vadd.f32 v11, v9;
	v7 =	vadd.f32 v12, v10  }
.LBB2_9:
0x7a: {  	s11 =	sshll.u32 s29, $0x9  }
0x7b: {  	s11 =	sshra.s32 s11, $0x2  }
0x7c: {  	v8 =	vld [tilespmem:s11+$0xA280]  }
0x7d: {  	v9 =	vld [tilespmem:s11+$0xA290]  }
0x7e: {  	v10 =	vld [tilespmem:s11+$0xA2A0]  }
0x7f: {  	v11 =	vld [tilespmem:s11+$0xA2B0]  }
0x80: {  	v12 =	vld [tilespmem:s11+$0xA2C0]  }
0x81: {  	v57 =	vld [tilespmem:s11+$0xA2D0];
	v7 =	vadd.f32 v8, v7  }
0x82: {  	v58 =	vld [tilespmem:s11+$0xA2E0];
	v1 =	vadd.f32 v9, v1  }
0x83: {  	v59 =	vld [tilespmem:s11+$0xA2F0];
	v2 =	vadd.f32 v10, v2;
	[tilespmem:s11+$0xA280] =	vst v7  }
0x84: {  	s29 =	sadd.s32 $0x1, s29;
	v60 =	vadd.f32 v11, v3;
	[tilespmem:s11+$0xA290] =	vst v1  }
0x85: {  	p1 =	slt.s32 s29, s30;
	v61 =	vadd.f32 v12, v4;
	[tilespmem:s11+$0xA2A0] =	vst v2  }
.Ltmp7:
0x86: {  	v62 =	vadd.f32 v57, v5;
	[tilespmem:s11+$0xA2B0] =	vst v60;
	(pc) =	sbr.rel @!p1 .LBB2_10-.Ltmp7, $4  }
0x87: {  	v63 =	vadd.f32 v58, v6;
	[tilespmem:s11+$0xA2C0] =	vst v61  }
0x88: {  	v0 =	vadd.f32 v59, v0;
	[tilespmem:s11+$0xA2D0] =	vst v62  }
0x89: {  	[tilespmem:s11+$0xA2E0] =	vst v63  }
0x8a: {  	[tilespmem:s11+$0xA2F0] =	vst v0  }
.LBB2_5:
0x8b: {  	v0 =	vld [tilespmem:s29+$0xA000];
	_ =	sdelay $0x1  }
0x8c: {  	v1 =	vld [tilespmem:s29+$0xA001];
	_ =	sdelay $0x2  }
0x8d: {  	(v2sf) =	vpush v0, $0x0;
	_ =	sdelay $0x1  }
0x8e: {  	(v2sf) =	vpush v1, $0x0;
	_ =	sdelay $0xc  }
0x8f: {  	s12 =	spop (v2sf)  }
0x90: {  	s11 =	smov.u32 s31;
	p1 =	sgt.s32 s12, s31  }
0x91: {  	s14 =	spop (v2sf);
	s11 =	smov.u32 @p1 s12  }
0x92: {  	p1 =	sge.s32 s11, s14  }
.Ltmp8:
0x93: {  	_ = 	snop;
	(pc) =	sbr.rel @p1 .LBB2_9-.Ltmp8, $4  }
0x94: {  	_ = 	snop  }
0x95: {  	v7 =	vimm.f32 $0.0e+00;
	v2 =	vimm.f32 $0.0e+00  }
0x96: {  	v3 =	vimm.f32 $0.0e+00;
	v4 =	vimm.f32 $0.0e+00;
	v5 =	vimm.f32 $0.0e+00  }
0x97: {  	v6 =	vimm.f32 $0.0e+00;
	v0 =	vimm.f32 $0.0e+00;
	v1 =	vimm.f32 $0.0e+00  }
0x98: {  	p1 =	sgt.s32 s12, s23;
	s25 =	smov.u32 s23  }
0x99: {  	s25 =	smov.u32 @p1 s12  }
0x9a: {  	s12 =	sshll.u32 s25, $0x9  }
0x9b: {  	s12 =	sshra.s32 s12, $0x2  }
0x9c: {  	s12 =	sadd.s32 s12, s4  }
0x9d: {  	v0 =	vld [tilespmem:s12+$0x30]  }
0x9e: {  	v1 =	vld [tilespmem:s12+$0xFFFFFFD0]  }
0x9f: {  	v2 =	vld [tilespmem:s12+$0xFFFFFFE0]  }
0xa0: {  	s11 =	sadd.s32 $0x1, s11;
	v4 =	vld [tilespmem:s12+$0xFFFFFFF0]  }
0xa1: {  	p1 =	slt.s32 s11, s14;
	v6 =	vld [tilespmem:s12+$0x0]  }
.Ltmp9:
0xa2: {  	v7 =	vld [tilespmem:s12+$0x10];
	(pc) =	sbr.rel @!p1 .LBB2_8-.Ltmp9, $4  }
0xa3: {  	v11 =	vld [tilespmem:s12+$0x20]  }
0xa4: {  	v3 =	vimm.f32 $0.0e+00;
	v5 =	vimm.f32 $0.0e+00;
	v12 =	vld [tilespmem:s12+$0xFFFFFFC0]  }
0xa5: {  	v8 =	vimm.f32 $0.0e+00;
	v9 =	vimm.f32 $0.0e+00;
	v0 =	vadd.f32 v0, v3  }
0xa6: {  	v10 =	vimm.f32 $0.0e+00;
	s12 =	sadd.s32 $0x80, s12;
	v1 =	vadd.f32 v1, v3;
	v2 =	vadd.f32 v2, v3  }
.LBB2_7:
0xa7: {  	v13 =	vld [tilespmem:s12+$0x30];
	s11 =	sadd.s32 $0x1, s11;
	v3 =	vadd.f32 v4, v3  }
0xa8: {  	v5 =	vadd.f32 v6, v5;
	v14 =	vld [tilespmem:s12+$0xFFFFFFD0];
	p1 =	slt.s32 s11, s14  }
0xa9: {  	v8 =	vadd.f32 v7, v8;
	v15 =	vld [tilespmem:s12+$0xFFFFFFE0]  }
.Ltmp10:
0xaa: {  	v9 =	vadd.f32 v11, v9;
	v4 =	vld [tilespmem:s12+$0xFFFFFFF0];
	(pc) =	sbr.rel @p1 .LBB2_7-.Ltmp10, $4  }
0xab: {  	v10 =	vadd.f32 v12, v10;
	v6 =	vld [tilespmem:s12+$0x0]  }
0xac: {  	v7 =	vld [tilespmem:s12+$0x10];
	v0 =	vadd.f32 v13, v0  }
0xad: {  	v1 =	vadd.f32 v14, v1;
	v11 =	vld [tilespmem:s12+$0x20]  }
0xae: {  	v12 =	vld [tilespmem:s12+$0xFFFFFFC0];
	v2 =	vadd.f32 v15, v2;
	s12 =	sadd.s32 $0x80, s12  }
.Ltmp11:
0xaf: {  	_ = 	snop;
	(pc) =	sbr.rel .LBB2_8-.Ltmp11, $1  }
0xb0: {  	_ =	sdelay $0x3  }
.LBB2_10:
0xb1: {  	v0 =	vld [tilespmem:s30+$0xA000];
	_ =	sdelay $0x4  }
0xb2: {  	(v2sf) =	vpush v0, $0x0;
	_ =	sdelay $0xe  }
0xb3: {  	s11 =	spop (v2sf)  }
0xb4: {  	s4 =	smov.u32 s31;
	p1 =	sgt.s32 s11, s31  }
0xb5: {  	s4 =	smov.u32 @p1 s11  }
0xb6: {  	p1 =	sge.s32 s4, s22  }
.Ltmp12:
0xb7: {  	_ = 	snop;
	(pc) =	sbr.rel @p1 .LBB2_14-.Ltmp12, $4  }
0xb8: {  	_ = 	snop  }
0xb9: {  	v7 =	vimm.f32 $0.0e+00;
	v1 =	vimm.f32 $0.0e+00  }
0xba: {  	v2 =	vimm.f32 $0.0e+00;
	v3 =	vimm.f32 $0.0e+00;
	v4 =	vimm.f32 $0.0e+00  }
0xbb: {  	v5 =	vimm.f32 $0.0e+00;
	v6 =	vimm.f32 $0.0e+00;
	v0 =	vimm.f32 $0.0e+00  }
0xbc: {  	p1 =	sgt.s32 s11, s23;
	s12 =	smov.u32 s23  }
0xbd: {  	s12 =	smov.u32 @p1 s11  }
0xbe: {  	s11 =	sshll.u32 s12, $0x9  }
0xbf: {  	s2 =	ssub.s32 s11, s2  }
0xc0: {  	s2 =	sshra.s32 s2, $0x2  }
0xc1: {  	s29 =	sadd.s32 $0x40, s2  }
0xc2: {  	v0 =	vld [tilespmem:s29+$0x30]  }
0xc3: {  	s2 =	sadd.s32 $0x1, s4;
	v1 =	vld [tilespmem:s29+$0xFFFFFFD0]  }
0xc4: {  	v2 =	vld [tilespmem:s29+$0xFFFFFFE0];
	p1 =	slt.s32 s2, s22  }
.Ltmp13:
0xc5: {  	v4 =	vld [tilespmem:s29+$0xFFFFFFF0];
	(pc) =	sbr.rel @!p1 .LBB2_13-.Ltmp13, $4  }
0xc6: {  	v6 =	vld [tilespmem:s29+$0x0]  }
0xc7: {  	v3 =	vimm.f32 $0.0e+00;
	v5 =	vimm.f32 $0.0e+00;
	v7 =	vld [tilespmem:s29+$0x10]  }
0xc8: {  	v8 =	vimm.f32 $0.0e+00;
	v9 =	vimm.f32 $0.0e+00;
	v11 =	vld [tilespmem:s29+$0x20];
	v0 =	vadd.f32 v0, v3  }
0xc9: {  	v10 =	vimm.f32 $0.0e+00;
	v12 =	vld [tilespmem:s29+$0xFFFFFFC0];
	s4 =	sadd.s32 $0x80, s29;
	v1 =	vadd.f32 v1, v3;
	v2 =	vadd.f32 v2, v3  }
.LBB2_12:
0xca: {  	v13 =	vld [tilespmem:s4+$0x30];
	s2 =	sadd.s32 $0x1, s2;
	v3 =	vadd.f32 v4, v3  }
0xcb: {  	v14 =	vld [tilespmem:s4+$0xFFFFFFD0];
	p1 =	slt.s32 s2, s22;
	v5 =	vadd.f32 v6, v5  }
0xcc: {  	v15 =	vld [tilespmem:s4+$0xFFFFFFE0];
	v8 =	vadd.f32 v7, v8  }
.Ltmp14:
0xcd: {  	v4 =	vld [tilespmem:s4+$0xFFFFFFF0];
	v9 =	vadd.f32 v11, v9;
	(pc) =	sbr.rel @p1 .LBB2_12-.Ltmp14, $4  }
0xce: {  	v6 =	vld [tilespmem:s4+$0x0];
	v10 =	vadd.f32 v12, v10  }
0xcf: {  	v7 =	vld [tilespmem:s4+$0x10];
	v0 =	vadd.f32 v13, v0  }
0xd0: {  	v1 =	vadd.f32 v14, v1;
	v11 =	vld [tilespmem:s4+$0x20]  }
0xd1: {  	v12 =	vld [tilespmem:s4+$0xFFFFFFC0];
	v2 =	vadd.f32 v15, v2;
	s4 =	sadd.s32 $0x80, s4  }
.LBB2_13:
0xd2: {  	_ =	sdelay $0x1  }
0xd3: {  	v3 =	vadd.f32 v4, v3  }
0xd4: {  	v4 =	vadd.f32 v6, v5;
	v5 =	vadd.f32 v7, v8  }
0xd5: {  	v6 =	vadd.f32 v11, v9;
	v7 =	vadd.f32 v12, v10  }
.LBB2_14:
0xd6: {  	p1 =	sgt.s32 s30, $0x0;
	s2 =	smov.u32 s30  }
0xd7: {  	s2 =	simm.s32 @!p1 $0x0  }
0xd8: {  	s2 =	smin.u32 s2, $0x3F  }
0xd9: {  	s2 =	sshll.u32 s2, $0x7  }
0xda: {  	v8 =	vld [tilespmem:s2+$0xA280]  }
0xdb: {  	v9 =	vld [tilespmem:s2+$0xA290]  }
0xdc: {  	v10 =	vld [tilespmem:s2+$0xA2A0]  }
0xdd: {  	v11 =	vld [tilespmem:s2+$0xA2B0]  }
0xde: {  	v12 =	vld [tilespmem:s2+$0xA2C0]  }
0xdf: {  	v57 =	vld [tilespmem:s2+$0xA2D0];
	v7 =	vadd.f32 v8, v7  }
0xe0: {  	v58 =	vld [tilespmem:s2+$0xA2E0];
	v1 =	vadd.f32 v9, v1  }
0xe1: {  	v59 =	vld [tilespmem:s2+$0xA2F0];
	v2 =	vadd.f32 v10, v2;
	[tilespmem:s2+$0xA280] =	vst v7  }
0xe2: {  	v60 =	vadd.f32 v11, v3;
	[tilespmem:s2+$0xA290] =	vst v1  }
0xe3: {  	v61 =	vadd.f32 v12, v4;
	[tilespmem:s2+$0xA2A0] =	vst v2  }
.Ltmp15:
0xe4: {  	v62 =	vadd.f32 v57, v5;
	[tilespmem:s2+$0xA2B0] =	vst v60;
	(pc) =	sbr.rel @p0 .LBB2_15-.Ltmp15, $4  }
0xe5: {  	v63 =	vadd.f32 v58, v6;
	[tilespmem:s2+$0xA2C0] =	vst v61  }
0xe6: {  	v0 =	vadd.f32 v59, v0;
	[tilespmem:s2+$0xA2D0] =	vst v62  }
0xe7: {  	[tilespmem:s2+$0xA2E0] =	vst v63  }
0xe8: {  	[tilespmem:s2+$0xA2F0] =	vst v0  }
0xe9: {  	s2 =	sadd.s32 $0x140, s31  }
0xea: {  	p0 =	sge.s32 s2, s0  }
0xeb: {  	p1 =	slt.s32 @!p0 s2, $0x2670  }
0xec: {  	s4 =	smov.u32 s2;
	p1 =	por !p1, p0  }
0xed: {  	s4 =	simm.s32 @p1 $0x2670  }
0xee: {  	s11 =	sshll.u32 @!p0 s4, $0x9  }
0xef: {  	s11 =	sor.u32 @!p0 s5, s11  }
0xf0: {  	s12 =	simm.s32 @!p0 $0x400;
	s14 =	simm.s32 @!p0 $0x1000;
	s11 =	sshrl.u32 @!p0 s11, $0x3  }
0xf1: {  	s22 =	simm.s32 @!p0 $0x0;
	s4 =	sshrl.u32 @!p0 s4, $0x3;
	s11 =	sadd.s32 @!p0 s1, s11  }
0xf2: {  	[tilespmem:s22], [sflag:$0x1] =	stream.strided.gather @!p0 [hbm4b:s11+s12], $0x5000, s14, s12, $0x38;
	[tilespmem:$0xC280] =	vst v63  }
0xf3: {  	s4 =	sadd.s32 @!p0 s3, s4;
	s11 =	simm.s32 @!p0 $0xA080  }
0xf4: {  	[tilespmem:s11], [sflag:$0x3] =	stream.linear.gather @!p0 [hbm4b:s4+s22], $0xA0, $0x38;
	[tilespmem:$0xC280] =	vst v63  }
0xf5: {  	_ =	swait.ge [sflag:s19], $0x5000  }
0xf6: {  	p0 =	slt.s32 s28, $0x2670;
	[sflag:s19] =	ssyncset.done $0x0  }
0xf7: {  	s4 =	smov.u32 s28;
	s22 =	smov.u32 s0;
	[sflag:s19] =	ssyncadd.s32 $0xFFFFB000  }
0xf8: {  	s4 =	simm.s32 @!p0 $0x2670;
	p0 =	slt.s32 s2, s0;
	_ =	swait.ge [sflag:s20], $0xA0  }
0xf9: {  	s22 =	smov.u32 @p0 s2;
	s25 =	sxor.u32 $0xFFFFFFFF, s4;
	[sflag:s20] =	ssyncset.done $0x0  }
0xfa: {  	s2 =	sadd.s32 s25, s22;
	[sflag:s20] =	ssyncadd.s32 $0xFFFFFF60  }
0xfb: {  	v0 =	vld [tilespmem:s2+$0xA180];
	_ =	sdelay $0x4  }
0xfc: {  	(v2sf) =	vpush v0, $0x0;
	_ =	sdelay $0xe  }
0xfd: {  	s31 =	spop (v2sf)  }
0xfe: {  	p0 =	slt.s32 s24, $0x2670;
	s4 =	smov.u32 s24;
	s29 =	ssub.s32 s31, s7  }
0xff: {  	s4 =	simm.s32 @!p0 $0x2670;
	p0 =	sge.s32 s30, s29  }
.Ltmp16:
0x100: {  	_ = 	snop;
	(pc) =	sbr.rel @p0 .LBB2_23-.Ltmp16, $2  }
0x101: {  	_ =	sdelay $0x2  }
0x102: {  	s2 =	sshll.u32 s4, $0x9  }
.Ltmp17:
0x103: {  	(pc) =	sbr.rel .LBB2_18-.Ltmp17, $4  }
0x104: {  	_ = 	snop  }
0x105: {  	s4 =	ssub.s32 $0x0, s2  }
0x106: {  	s4 =	sshra.s32 s4, $0x2  }
0x107: {  	s4 =	sadd.s32 $0x5040, s4  }
.LBB2_21:
0x108: {  	v3 =	vadd.f32 v4, v3  }
0x109: {  	v4 =	vadd.f32 v6, v5;
	v5 =	vadd.f32 v7, v8  }
0x10a: {  	v6 =	vadd.f32 v11, v9;
	v7 =	vadd.f32 v12, v10  }
.LBB2_22:
0x10b: {  	s11 =	sshll.u32 s30, $0x9  }
0x10c: {  	s11 =	sshra.s32 s11, $0x2  }
0x10d: {  	v8 =	vld [tilespmem:s11+$0xA280]  }
0x10e: {  	v9 =	vld [tilespmem:s11+$0xA290]  }
0x10f: {  	v10 =	vld [tilespmem:s11+$0xA2A0]  }
0x110: {  	v11 =	vld [tilespmem:s11+$0xA2B0]  }
0x111: {  	v12 =	vld [tilespmem:s11+$0xA2C0]  }
0x112: {  	v57 =	vld [tilespmem:s11+$0xA2D0];
	v7 =	vadd.f32 v8, v7  }
0x113: {  	v58 =	vld [tilespmem:s11+$0xA2E0];
	v1 =	vadd.f32 v9, v1  }
0x114: {  	v59 =	vld [tilespmem:s11+$0xA2F0];
	v2 =	vadd.f32 v10, v2;
	[tilespmem:s11+$0xA280] =	vst v7  }
0x115: {  	s30 =	sadd.s32 $0x1, s30;
	v60 =	vadd.f32 v11, v3;
	[tilespmem:s11+$0xA290] =	vst v1  }
0x116: {  	p0 =	sne.s32 s30, s29;
	v61 =	vadd.f32 v12, v4;
	[tilespmem:s11+$0xA2A0] =	vst v2  }
.Ltmp18:
0x117: {  	v62 =	vadd.f32 v57, v5;
	[tilespmem:s11+$0xA2B0] =	vst v60;
	(pc) =	sbr.rel @!p0 .LBB2_23-.Ltmp18, $4  }
0x118: {  	v63 =	vadd.f32 v58, v6;
	[tilespmem:s11+$0xA2C0] =	vst v61  }
0x119: {  	v0 =	vadd.f32 v59, v0;
	[tilespmem:s11+$0xA2D0] =	vst v62  }
0x11a: {  	[tilespmem:s11+$0xA2E0] =	vst v63  }
0x11b: {  	[tilespmem:s11+$0xA2F0] =	vst v0  }
.LBB2_18:
0x11c: {  	v0 =	vld [tilespmem:s30+$0xA000];
	_ =	sdelay $0x1  }
0x11d: {  	v1 =	vld [tilespmem:s30+$0xA001];
	_ =	sdelay $0x2  }
0x11e: {  	(v2sf) =	vpush v0, $0x0;
	_ =	sdelay $0x1  }
0x11f: {  	(v2sf) =	vpush v1, $0x0;
	_ =	sdelay $0xc  }
0x120: {  	s12 =	spop (v2sf)  }
0x121: {  	s11 =	smov.u32 s28;
	p0 =	sgt.s32 s12, s28  }
0x122: {  	s14 =	spop (v2sf);
	s11 =	smov.u32 @p0 s12  }
0x123: {  	p0 =	sge.s32 s11, s14  }
.Ltmp19:
0x124: {  	_ = 	snop;
	(pc) =	sbr.rel @p0 .LBB2_22-.Ltmp19, $4  }
0x125: {  	_ = 	snop  }
0x126: {  	v7 =	vimm.f32 $0.0e+00;
	v2 =	vimm.f32 $0.0e+00  }
0x127: {  	v3 =	vimm.f32 $0.0e+00;
	v4 =	vimm.f32 $0.0e+00;
	v5 =	vimm.f32 $0.0e+00  }
0x128: {  	v6 =	vimm.f32 $0.0e+00;
	v0 =	vimm.f32 $0.0e+00;
	v1 =	vimm.f32 $0.0e+00  }
0x129: {  	p0 =	sgt.s32 s12, s24;
	s25 =	smov.u32 s24  }
0x12a: {  	s25 =	smov.u32 @p0 s12  }
0x12b: {  	s12 =	sshll.u32 s25, $0x9  }
0x12c: {  	s12 =	sshra.s32 s12, $0x2  }
0x12d: {  	s12 =	sadd.s32 s12, s4  }
0x12e: {  	v0 =	vld [tilespmem:s12+$0x30]  }
0x12f: {  	v1 =	vld [tilespmem:s12+$0xFFFFFFD0]  }
0x130: {  	v2 =	vld [tilespmem:s12+$0xFFFFFFE0]  }
0x131: {  	s11 =	sadd.s32 $0x1, s11;
	v4 =	vld [tilespmem:s12+$0xFFFFFFF0]  }
0x132: {  	p0 =	slt.s32 s11, s14;
	v6 =	vld [tilespmem:s12+$0x0]  }
.Ltmp20:
0x133: {  	v7 =	vld [tilespmem:s12+$0x10];
	(pc) =	sbr.rel @!p0 .LBB2_21-.Ltmp20, $4  }
0x134: {  	v11 =	vld [tilespmem:s12+$0x20]  }
0x135: {  	v3 =	vimm.f32 $0.0e+00;
	v5 =	vimm.f32 $0.0e+00;
	v12 =	vld [tilespmem:s12+$0xFFFFFFC0]  }
0x136: {  	v8 =	vimm.f32 $0.0e+00;
	v9 =	vimm.f32 $0.0e+00;
	v0 =	vadd.f32 v0, v3  }
0x137: {  	v10 =	vimm.f32 $0.0e+00;
	s12 =	sadd.s32 $0x80, s12;
	v1 =	vadd.f32 v1, v3;
	v2 =	vadd.f32 v2, v3  }
.LBB2_20:
0x138: {  	v13 =	vld [tilespmem:s12+$0x30];
	s11 =	sadd.s32 $0x1, s11;
	v3 =	vadd.f32 v4, v3  }
0x139: {  	v5 =	vadd.f32 v6, v5;
	v14 =	vld [tilespmem:s12+$0xFFFFFFD0];
	p0 =	slt.s32 s11, s14  }
0x13a: {  	v8 =	vadd.f32 v7, v8;
	v15 =	vld [tilespmem:s12+$0xFFFFFFE0]  }
.Ltmp21:
0x13b: {  	v9 =	vadd.f32 v11, v9;
	v4 =	vld [tilespmem:s12+$0xFFFFFFF0];
	(pc) =	sbr.rel @p0 .LBB2_20-.Ltmp21, $4  }
0x13c: {  	v10 =	vadd.f32 v12, v10;
	v6 =	vld [tilespmem:s12+$0x0]  }
0x13d: {  	v7 =	vld [tilespmem:s12+$0x10];
	v0 =	vadd.f32 v13, v0  }
0x13e: {  	v1 =	vadd.f32 v14, v1;
	v11 =	vld [tilespmem:s12+$0x20]  }
0x13f: {  	v12 =	vld [tilespmem:s12+$0xFFFFFFC0];
	v2 =	vadd.f32 v15, v2;
	s12 =	sadd.s32 $0x80, s12  }
.Ltmp22:
0x140: {  	_ = 	snop;
	(pc) =	sbr.rel .LBB2_21-.Ltmp22, $1  }
0x141: {  	_ =	sdelay $0x3  }
.LBB2_15:
.Ltmp23:
0x142: {  	(pc) =	sbr.rel .LBB2_28-.Ltmp23, $2  }
0x143: {  	_ =	sdelay $0x2  }
0x144: {  	s29 =	smov.u32 s30  }
.LBB2_23:
0x145: {  	v0 =	vld [tilespmem:s29+$0xA000];
	_ =	sdelay $0x4  }
0x146: {  	(v2sf) =	vpush v0, $0x0;
	_ =	sdelay $0xe  }
0x147: {  	s4 =	spop (v2sf)  }
0x148: {  	p0 =	sgt.s32 s4, s28  }
0x149: {  	s28 =	smov.u32 @p0 s4  }
0x14a: {  	p0 =	sge.s32 s28, s22  }
.Ltmp24:
0x14b: {  	_ = 	snop;
	(pc) =	sbr.rel @p0 .LBB2_27-.Ltmp24, $4  }
0x14c: {  	_ = 	snop  }
0x14d: {  	v7 =	vimm.f32 $0.0e+00;
	v1 =	vimm.f32 $0.0e+00  }
0x14e: {  	v2 =	vimm.f32 $0.0e+00;
	v3 =	vimm.f32 $0.0e+00;
	v4 =	vimm.f32 $0.0e+00  }
0x14f: {  	v5 =	vimm.f32 $0.0e+00;
	v6 =	vimm.f32 $0.0e+00;
	v0 =	vimm.f32 $0.0e+00  }
0x150: {  	p0 =	sgt.s32 s4, s24;
	s11 =	smov.u32 s24  }
0x151: {  	s11 =	smov.u32 @p0 s4  }
0x152: {  	s4 =	sshll.u32 s11, $0x9  }
0x153: {  	s2 =	ssub.s32 s4, s2  }
0x154: {  	s2 =	sshra.s32 s2, $0x2  }
0x155: {  	s31 =	sadd.s32 $0x5040, s2  }
0x156: {  	v0 =	vld [tilespmem:s31+$0x30]  }
0x157: {  	v1 =	vld [tilespmem:s31+$0xFFFFFFD0]  }
0x158: {  	v2 =	vld [tilespmem:s31+$0xFFFFFFE0]  }
0x159: {  	s2 =	sadd.s32 $0x1, s28;
	v4 =	vld [tilespmem:s31+$0xFFFFFFF0]  }
0x15a: {  	v6 =	vld [tilespmem:s31+$0x0];
	p0 =	slt.s32 s2, s22  }
.Ltmp25:
0x15b: {  	v7 =	vld [tilespmem:s31+$0x10];
	(pc) =	sbr.rel @!p0 .LBB2_26-.Ltmp25, $4  }
0x15c: {  	v11 =	vld [tilespmem:s31+$0x20]  }
0x15d: {  	v3 =	vimm.f32 $0.0e+00;
	v5 =	vimm.f32 $0.0e+00;
	v12 =	vld [tilespmem:s31+$0xFFFFFFC0]  }
0x15e: {  	v8 =	vimm.f32 $0.0e+00;
	v9 =	vimm.f32 $0.0e+00;
	v0 =	vadd.f32 v0, v3  }
0x15f: {  	v10 =	vimm.f32 $0.0e+00;
	s4 =	sadd.s32 $0x80, s31;
	v1 =	vadd.f32 v1, v3;
	v2 =	vadd.f32 v2, v3  }
.LBB2_25:
0x160: {  	v13 =	vld [tilespmem:s4+$0x30];
	s2 =	sadd.s32 $0x1, s2;
	v3 =	vadd.f32 v4, v3  }
0x161: {  	v5 =	vadd.f32 v6, v5;
	v14 =	vld [tilespmem:s4+$0xFFFFFFD0];
	p0 =	slt.s32 s2, s22  }
0x162: {  	v8 =	vadd.f32 v7, v8;
	v15 =	vld [tilespmem:s4+$0xFFFFFFE0]  }
.Ltmp26:
0x163: {  	v9 =	vadd.f32 v11, v9;
	v4 =	vld [tilespmem:s4+$0xFFFFFFF0];
	(pc) =	sbr.rel @p0 .LBB2_25-.Ltmp26, $4  }
0x164: {  	v10 =	vadd.f32 v12, v10;
	v6 =	vld [tilespmem:s4+$0x0]  }
0x165: {  	v7 =	vld [tilespmem:s4+$0x10];
	v0 =	vadd.f32 v13, v0  }
0x166: {  	v1 =	vadd.f32 v14, v1;
	v11 =	vld [tilespmem:s4+$0x20]  }
0x167: {  	v12 =	vld [tilespmem:s4+$0xFFFFFFC0];
	v2 =	vadd.f32 v15, v2;
	s4 =	sadd.s32 $0x80, s4  }
.Ltmp27:
0x168: {  	_ = 	snop;
	(pc) =	sbr.rel .LBB2_26-.Ltmp27, $1  }
0x169: {  	_ =	sdelay $0x3  }
.LBB2_30:
0x16a: {  	_ =	sfence.sel $0x180000  }
0x16b: {  	[bflag:$0x0] =	sbarrier.arrive $0xFFFF  }
0x16c: {  	_ =	strace $0x90000047  }
0x16d: {  	s0 =	stileid.u32;
	[bflag:$0x2] =	sbarrier.arrive $0xFFFF  }
0x16e: {  	p0 =	sne.s32 s0, $0x0;
	s0 =	rddreg [dreg:$0x4]  }
0x16f: {  	s0 =	sadd.s32 @!p0 $0x100000, s0  }
0x170: {  	[sflag:s0] =	ssyncadd.tile.s32 @!p0 $0x1;
	_ =	shalt  }
.Lfunc_end2:
_tile_overlayer_lowered:
.L_overlay_start_2:
0x171: {  	(tag) =	ssettag $0x2  }
0x172: {  	s0 =	rddreg [dreg:$0x0];
	s2 =	stileid.u32  }
0x173: {  	s1 =	rddreg [dreg:$0x1];
	p0 =	sne.s32 s2, $0x0  }
0x174: {  	s3 =	rddreg [dreg:$0x2];
	[bflag:$0x3] =	sbarrier.arrive $0xFFFF;
	s2 =	simm.s32 @!p0 $0x1C06  }
0x175: {  	[timem:s3], [sflag:s2] =	dma.local @!p0 [hbm:s0], s1  }
0x176: {  	s0 =	simm.s32 @!p0 $0x6  }
0x177: {  	_ =	swait.ge @!p0 [sflag:s0], s1  }
0x178: {  	s1 =	ssub.s32 @!p0 $0x0, s1;
	[sflag:s0] =	ssyncset.done @!p0 $0x0  }
0x179: {  	[sflag:s0] =	ssyncadd.s32 @!p0 s1  }
0x17a: {  	[bflag:$0x3] =	sbarrier.arrive $0xFFFF  }
0x17b: {  	_ =	shalt  }

</sc_bundles>
